<compile_context>
chip_gen: v7x
topology: tpu7x:2x2x1
jax: 0.10.2.dev20260603
libtpu: 0.0.44.dev20260713+nightly
codegen_flags: <defaults>
</compile_context>

<pallas_src>
import functools

import jax
import jax.numpy as jnp
from jax import lax
from jax.experimental import pallas as pl
from jax.experimental.pallas import tpu as pltpu
from jax.experimental.pallas import tpu_sc as plsc

N_TOK = 8192
N_EXP = 64
K = 8
N_CHUNKS = 2
CTOK = N_TOK // N_CHUNKS
BLOCK = 1024

NUM_WORKERS = 32
RPW = CTOK // NUM_WORKERS
L = 16
NG = N_EXP // L


def _probs_kernel(x_ref, w_ref, p_ref):
    x = x_ref[...]
    w = w_ref[...]
    logits = jax.lax.dot_general(
        x, w, (((1,), (1,)), ((), ())), preferred_element_type=jnp.float32
    )
    m = jnp.max(logits, axis=1, keepdims=True)
    e = jnp.exp(logits - m)
    s = jnp.sum(e, axis=1, keepdims=True)
    p_ref[...] = e / s


def _tc_probs(x_chunk, weight):
    return pl.pallas_call(
        _probs_kernel,
        grid=(CTOK // BLOCK,),
        in_specs=[
            pl.BlockSpec((BLOCK, N_EXP), lambda i: (i, 0)),
            pl.BlockSpec((N_EXP, N_EXP), lambda i: (0, 0)),
        ],
        out_specs=pl.BlockSpec((BLOCK, N_EXP), lambda i: (i, 0)),
        out_shape=jax.ShapeDtypeStruct((CTOK, N_EXP), jnp.float32),
    )(x_chunk, weight)


@functools.partial(
    pl.kernel,
    out_type=[
        jax.ShapeDtypeStruct((CTOK, L), jnp.float32),
        jax.ShapeDtypeStruct((CTOK, L), jnp.int32),
    ],
    mesh=plsc.VectorSubcoreMesh(core_axis_name="c", subcore_axis_name="s"),
    compiler_params=pltpu.CompilerParams(needs_layout_passes=False),
    scratch_types=[
        pltpu.VMEM((RPW, N_EXP), jnp.float32),
        pltpu.VMEM((RPW, L), jnp.float32),
        pltpu.VMEM((RPW, L), jnp.int32),
    ],
)
def _topk_sc(p_hbm, out_w_hbm, out_i_hbm, buf, ow, oi):
    wid = lax.axis_index("s") * 2 + lax.axis_index("c")
    base = pl.multiple_of(wid * RPW, RPW)
    pltpu.sync_copy(p_hbm.at[pl.ds(base, RPW)], buf)

    lane = lax.iota(jnp.int32, L)
    iotas = [lane + g * L for g in range(NG)]
    lane_next = jnp.minimum(lane + 1, L - 1)
    lane_prev = jnp.maximum(lane - 1, 0)
    is_last = lane == (L - 1)
    is_first = lane == 0

    def _gath(x, i):
        return x.at[i].get(mode="promise_in_bounds")

    def _merge(ak, ai, bk, bi):
        rbk = jnp.flip(bk, 0)
        rbi = jnp.flip(bi, 0)
        take = ak >= rbk
        mk = jnp.where(take, ak, rbk)
        mi = jnp.where(take, ai, rbi)
        return plsc.sort_key_val(mk, mi, descending=True)

    def topk_one_row(r):
        sk, si = [], []
        for g in range(NG):
            k_g, i_g = plsc.sort_key_val(
                buf[r, pl.ds(g * L, L)],
                iotas[g],
                descending=True,
            )
            sk.append(k_g)
            si.append(i_g)
        k01, i01 = _merge(sk[0], si[0], sk[1], si[1])
        k23, i23 = _merge(sk[2], si[2], sk[3], si[3])
        kf, idxf = _merge(k01, i01, k23, i23)
        kn = jnp.where(is_last, -1.0, _gath(kf, lane_next))
        inx = _gath(idxf, lane_next)
        kp = jnp.where(is_first, -2.0, _gath(kf, lane_prev))
        ipv = _gath(idxf, lane_prev)
        fixed = jnp.where(kf == kn, jnp.minimum(idxf, inx), idxf)
        fixed = jnp.where(kf == kp, jnp.maximum(fixed, ipv), fixed)
        return kf, fixed

    def pair_body(p, carry):
        w_a, i_a = topk_one_row(p * 2)
        w_b, i_b = topk_one_row(p * 2 + 1)
        ow[p * 2, :] = w_a
        oi[p * 2, :] = i_a
        ow[p * 2 + 1, :] = w_b
        oi[p * 2 + 1, :] = i_b
        return carry

    lax.fori_loop(0, RPW // 2, pair_body, 0)

    pltpu.sync_copy(ow, out_w_hbm.at[pl.ds(base, RPW)])
    pltpu.sync_copy(oi, out_i_hbm.at[pl.ds(base, RPW)])


@jax.jit
def kernel(hidden_states, weight):
    ws, idxs = [], []
    for c in range(N_CHUNKS):
        probs = _tc_probs(
            lax.slice_in_dim(hidden_states, c * CTOK, (c + 1) * CTOK), weight
        )
        w16, i16 = _topk_sc(probs)
        ws.append(w16)
        idxs.append(i16)
    out_w = jnp.concatenate(ws, axis=0)[:, :K]
    out_i = jnp.concatenate(idxs, axis=0)[:, :K]
    return (out_w, out_i)

# --- scband reference (transcript-rebuilt; emitter-appended) ---
"""Pipeline reference for scband-mo-egate-72138270703850 (READ-ONLY COPY).

The authoritative reference and input builder live on the scoring server;
editing this copy changes nothing except your own understanding.
"""

import jax, jax.numpy as jnp
import numpy as np

N_TOKENS = 8192
N_EXPERTS = 64
TOP_K = 8


def setup_inputs(seed: int = 0) -> dict:
    key = jax.random.key(seed)
    k1, k2 = jax.random.split(key)
    hidden_states = jax.random.normal(k1, (N_TOKENS, N_EXPERTS), dtype=jnp.float32)
    # nn.Parameter weight of shape (n_experts, n_experts); note the original module's
    # F.linear requires hidden_states last dim == n_experts, so inputs are [tokens, E].
    weight = jax.random.normal(k2, (N_EXPERTS, N_EXPERTS), dtype=jnp.float32) * 0.02
    return {"hidden_states": hidden_states, "weight": weight}


def reference(hidden_states, weight):
    # gating_logits = F.linear(x.float(), W.float()) == x @ W.T
    gating_logits = hidden_states.astype(jnp.float32) @ weight.astype(jnp.float32).T
    # score_func == 'softmax'
    scores = jax.nn.softmax(gating_logits, axis=-1)
    # topk_method == 'greedy': torch.topk(scores, k, largest=True)
    topk_weights, topk_indices = jax.lax.top_k(scores, TOP_K)
    # norm_topk_prob == False -> just scale by routed_scaling_factor (1.0)
    topk_weights = topk_weights * 1.0
    return (topk_weights, topk_indices)

if __name__ == "__main__":
    import jax
    _d = setup_inputs()
    print(jax.jit(kernel)(*tuple(_d.values())))

</pallas_src>

<mosaic_0001>
#map = affine_map<(d0, d1) -> (0, 0)>
module attributes {stable_mosaic.version = 14 : i64} {
  func.func @_topk_sc(%arg0: i32, %arg1: i32, %arg2: memref<4096x64xf32, #tpu.memory_space<hbm>>, %arg3: memref<4096x16xf32, #tpu.memory_space<hbm>>, %arg4: memref<4096x16xi32, #tpu.memory_space<hbm>>, %arg5: memref<128x64xf32, #tpu.memory_space<vmem>>, %arg6: memref<128x16xf32, #tpu.memory_space<vmem>>, %arg7: memref<128x16xi32, #tpu.memory_space<vmem>>) attributes {dimension_semantics = [#tpu.dimension_semantics<core_parallel>, #tpu.dimension_semantics<subcore_parallel>], iteration_bounds = array<i64: 2, 16>, scalar_prefetch = 0 : i64, scratch_operands = 3 : i64, tpu.core_type = #tpu.core_type<sc_vector_subcore>, window_params = [{transform_indices = #map}, {transform_indices = #map}, {transform_indices = #map}]} {
    %mul3A = arith.constant 2 : i32
    %mul3A_0 = arith.muli %arg1, %mul3A : i32
    %add3A = arith.addi %mul3A_0, %arg0 : i32
    %mul3A_1 = arith.constant 128 : i32
    %mul3A_2 = arith.muli %add3A, %mul3A_1 : i32
    %multiple_of3A = tpu.assume_multiple %mul3A_2, 128 : i32
    "tpu.region"() ({
      %run_scoped3A = tpu.sem_alloc : memref<!tpu.dma_semaphore, #tpu.memory_space<semaphore_mem>>
      %dma_start3A = arith.constant 0 : i32
      %dma_start3A_34 = tpu.memref_slice %arg2[%multiple_of3A, %dma_start3A] : memref<4096x64xf32, #tpu.memory_space<hbm>> -> memref<128x64xf32, #tpu.memory_space<hbm>>
      %dma_start3A_35 = arith.constant 0 : i32
      %dma_start3A_36 = tpu.memref_slice %arg2[%multiple_of3A, %dma_start3A_35] : memref<4096x64xf32, #tpu.memory_space<hbm>> -> memref<128x64xf32, #tpu.memory_space<hbm>>
      tpu.enqueue_dma source(%dma_start3A_36 : memref<128x64xf32, #tpu.memory_space<hbm>>) target(%arg5 : memref<128x64xf32, #tpu.memory_space<vmem>>) target_semaphore(%run_scoped3A : memref<!tpu.dma_semaphore, #tpu.memory_space<semaphore_mem>>)
      %dma_wait3A = arith.constant 0 : i32
      %dma_wait3A_37 = tpu.memref_slice %arg2[%multiple_of3A, %dma_wait3A] : memref<4096x64xf32, #tpu.memory_space<hbm>> -> memref<128x64xf32, #tpu.memory_space<hbm>>
      %dma_wait3A_38 = arith.constant 0 : i32
      %dma_wait3A_39 = tpu.memref_slice %arg2[%multiple_of3A, %dma_wait3A_38] : memref<4096x64xf32, #tpu.memory_space<hbm>> -> memref<128x64xf32, #tpu.memory_space<hbm>>
      tpu.wait_dma2 semaphore(%run_scoped3A : memref<!tpu.dma_semaphore, #tpu.memory_space<semaphore_mem>>) src(%dma_wait3A_39 : memref<128x64xf32, #tpu.memory_space<hbm>>) dst(%arg5 : memref<128x64xf32, #tpu.memory_space<vmem>>)
      tpu.yield
    }) : () -> ()
    %iota3A = tpu.iota {dimensions = array<i32: 0>} : vector<16xi32>
    %add3A_3 = arith.constant 0 : i32
    %add3A_4 = vector.broadcast %add3A_3 : i32 to vector<16xi32>
    %add3A_5 = arith.addi %iota3A, %add3A_4 : vector<16xi32>
    %add3A_6 = arith.constant 16 : i32
    %add3A_7 = vector.broadcast %add3A_6 : i32 to vector<16xi32>
    %add3A_8 = arith.addi %iota3A, %add3A_7 : vector<16xi32>
    %add3A_9 = arith.constant 32 : i32
    %add3A_10 = vector.broadcast %add3A_9 : i32 to vector<16xi32>
    %add3A_11 = arith.addi %iota3A, %add3A_10 : vector<16xi32>
    %add3A_12 = arith.constant 48 : i32
    %add3A_13 = vector.broadcast %add3A_12 : i32 to vector<16xi32>
    %add3A_14 = arith.addi %iota3A, %add3A_13 : vector<16xi32>
    %add3A_15 = arith.constant 1 : i32
    %add3A_16 = vector.broadcast %add3A_15 : i32 to vector<16xi32>
    %add3A_17 = arith.addi %iota3A, %add3A_16 : vector<16xi32>
    %min3A = arith.constant 15 : i32
    %min3A_18 = vector.broadcast %min3A : i32 to vector<16xi32>
    %min3A_19 = arith.minsi %add3A_17, %min3A_18 : vector<16xi32>
    %sub3A = arith.constant 1 : i32
    %sub3A_20 = vector.broadcast %sub3A : i32 to vector<16xi32>
    %sub3A_21 = arith.subi %iota3A, %sub3A_20 : vector<16xi32>
    %max3A = arith.constant 0 : i32
    %max3A_22 = vector.broadcast %max3A : i32 to vector<16xi32>
    %max3A_23 = arith.maxsi %sub3A_21, %max3A_22 : vector<16xi32>
    %eq3A = arith.constant 15 : i32
    %eq3A_24 = vector.broadcast %eq3A : i32 to vector<16xi32>
    %eq3A_25 = arith.cmpi eq, %iota3A, %eq3A_24 : vector<16xi32>
    %eq3A_26 = arith.constant 0 : i32
    %eq3A_27 = vector.broadcast %eq3A_26 : i32 to vector<16xi32>
    %eq3A_28 = arith.cmpi eq, %iota3A, %eq3A_27 : vector<16xi32>
    %scan3A = arith.constant 0 : i32
    %scan3A_29 = arith.constant 0 : i32
    %scan3A_30 = arith.constant 64 : i32
    %scan3A_31 = arith.addi %scan3A_29, %scan3A_30 : i32
    %scan3A_32 = arith.constant 1 : i32
    scf.for %scan3A_34 = %scan3A_29 to %scan3A_31 step %scan3A_32  : i32 {
      %mul3A_35 = arith.constant 2 : i32
      %mul3A_36 = arith.muli %scan3A_34, %mul3A_35 : i32
      %get3A = arith.index_cast %mul3A_36 : i32 to index
      %get3A_37 = arith.constant 0 : index
      %get3A_38 = tpu.vector_load %arg5[%get3A, %get3A_37] {strides = array<i32>} : memref<128x64xf32, #tpu.memory_space<vmem>>, vector<16xf32>,
      %masked_sort3A = arith.constant dense<true> : vector<16xi1>
      %masked_sort3A_39, %masked_sort3A_40, %masked_sort3A_41 = tpu.sort %get3A_38, %add3A_5 masked %masked_sort3A {descending = true} : (vector<16xf32>, vector<16xi32>, vector<16xi1>) -> (vector<16xi1>, vector<16xf32>, vector<16xi32>)
      %get3A_42 = arith.index_cast %mul3A_36 : i32 to index
      %get3A_43 = arith.constant 16 : index
      %get3A_44 = tpu.vector_load %arg5[%get3A_42, %get3A_43] {strides = array<i32>} : memref<128x64xf32, #tpu.memory_space<vmem>>, vector<16xf32>,
      %masked_sort3A_45 = arith.constant dense<true> : vector<16xi1>
      %masked_sort3A_46, %masked_sort3A_47, %masked_sort3A_48 = tpu.sort %get3A_44, %add3A_8 masked %masked_sort3A_45 {descending = true} : (vector<16xf32>, vector<16xi32>, vector<16xi1>) -> (vector<16xi1>, vector<16xf32>, vector<16xi32>)
      %get3A_49 = arith.index_cast %mul3A_36 : i32 to index
      %get3A_50 = arith.constant 32 : index
      %get3A_51 = tpu.vector_load %arg5[%get3A_49, %get3A_50] {strides = array<i32>} : memref<128x64xf32, #tpu.memory_space<vmem>>, vector<16xf32>,
      %masked_sort3A_52 = arith.constant dense<true> : vector<16xi1>
      %masked_sort3A_53, %masked_sort3A_54, %masked_sort3A_55 = tpu.sort %get3A_51, %add3A_11 masked %masked_sort3A_52 {descending = true} : (vector<16xf32>, vector<16xi32>, vector<16xi1>) -> (vector<16xi1>, vector<16xf32>, vector<16xi32>)
      %get3A_56 = arith.index_cast %mul3A_36 : i32 to index
      %get3A_57 = arith.constant 48 : index
      %get3A_58 = tpu.vector_load %arg5[%get3A_56, %get3A_57] {strides = array<i32>} : memref<128x64xf32, #tpu.memory_space<vmem>>, vector<16xf32>,
      %masked_sort3A_59 = arith.constant dense<true> : vector<16xi1>
      %masked_sort3A_60, %masked_sort3A_61, %masked_sort3A_62 = tpu.sort %get3A_58, %add3A_14 masked %masked_sort3A_59 {descending = true} : (vector<16xf32>, vector<16xi32>, vector<16xi1>) -> (vector<16xi1>, vector<16xf32>, vector<16xi32>)
      %rev3A = arith.constant 15 : i32
      %rev3A_63 = vector.broadcast %rev3A : i32 to vector<16xi32>
      %rev3A_64 = tpu.iota {dimensions = array<i32: 0>} : vector<16xi32>
      %rev3A_65 = arith.subi %rev3A_63, %rev3A_64 : vector<16xi32>
      %rev3A_66 = tpu.dynamic_gather %masked_sort3A_47[%rev3A_65] in [0] : vector<16xf32>, vector<16xi32> -> vector<16xf32>
      %rev3A_67 = arith.constant 15 : i32
      %rev3A_68 = vector.broadcast %rev3A_67 : i32 to vector<16xi32>
      %rev3A_69 = tpu.iota {dimensions = array<i32: 0>} : vector<16xi32>
      %rev3A_70 = arith.subi %rev3A_68, %rev3A_69 : vector<16xi32>
      %rev3A_71 = tpu.dynamic_gather %masked_sort3A_48[%rev3A_70] in [0] : vector<16xi32>, vector<16xi32> -> vector<16xi32>
      %ge3A = arith.cmpf oge, %masked_sort3A_40, %rev3A_66 : vector<16xf32>
      %select_n3A = arith.select %ge3A, %masked_sort3A_40, %rev3A_66 : vector<16xi1>, vector<16xf32>
      %select_n3A_72 = arith.select %ge3A, %masked_sort3A_41, %rev3A_71 : vector<16xi1>, vector<16xi32>
      %masked_sort3A_73 = arith.constant dense<true> : vector<16xi1>
      %masked_sort3A_74, %masked_sort3A_75, %masked_sort3A_76 = tpu.sort %select_n3A, %select_n3A_72 masked %masked_sort3A_73 {descending = true} : (vector<16xf32>, vector<16xi32>, vector<16xi1>) -> (vector<16xi1>, vector<16xf32>, vector<16xi32>)
      %rev3A_77 = arith.constant 15 : i32
      %rev3A_78 = vector.broadcast %rev3A_77 : i32 to vector<16xi32>
      %rev3A_79 = tpu.iota {dimensions = array<i32: 0>} : vector<16xi32>
      %rev3A_80 = arith.subi %rev3A_78, %rev3A_79 : vector<16xi32>
      %rev3A_81 = tpu.dynamic_gather %masked_sort3A_61[%rev3A_80] in [0] : vector<16xf32>, vector<16xi32> -> vector<16xf32>
      %rev3A_82 = arith.constant 15 : i32
      %rev3A_83 = vector.broadcast %rev3A_82 : i32 to vector<16xi32>
      %rev3A_84 = tpu.iota {dimensions = array<i32: 0>} : vector<16xi32>
      %rev3A_85 = arith.subi %rev3A_83, %rev3A_84 : vector<16xi32>
      %rev3A_86 = tpu.dynamic_gather %masked_sort3A_62[%rev3A_85] in [0] : vector<16xi32>, vector<16xi32> -> vector<16xi32>
      %ge3A_87 = arith.cmpf oge, %masked_sort3A_54, %rev3A_81 : vector<16xf32>
      %select_n3A_88 = arith.select %ge3A_87, %masked_sort3A_54, %rev3A_81 : vector<16xi1>, vector<16xf32>
      %select_n3A_89 = arith.select %ge3A_87, %masked_sort3A_55, %rev3A_86 : vector<16xi1>, vector<16xi32>
      %masked_sort3A_90 = arith.constant dense<true> : vector<16xi1>
      %masked_sort3A_91, %masked_sort3A_92, %masked_sort3A_93 = tpu.sort %select_n3A_88, %select_n3A_89 masked %masked_sort3A_90 {descending = true} : (vector<16xf32>, vector<16xi32>, vector<16xi1>) -> (vector<16xi1>, vector<16xf32>, vector<16xi32>)
      %rev3A_94 = arith.constant 15 : i32
      %rev3A_95 = vector.broadcast %rev3A_94 : i32 to vector<16xi32>
      %rev3A_96 = tpu.iota {dimensions = array<i32: 0>} : vector<16xi32>
      %rev3A_97 = arith.subi %rev3A_95, %rev3A_96 : vector<16xi32>
      %rev3A_98 = tpu.dynamic_gather %masked_sort3A_92[%rev3A_97] in [0] : vector<16xf32>, vector<16xi32> -> vector<16xf32>
      %rev3A_99 = arith.constant 15 : i32
      %rev3A_100 = vector.broadcast %rev3A_99 : i32 to vector<16xi32>
      %rev3A_101 = tpu.iota {dimensions = array<i32: 0>} : vector<16xi32>
      %rev3A_102 = arith.subi %rev3A_100, %rev3A_101 : vector<16xi32>
      %rev3A_103 = tpu.dynamic_gather %masked_sort3A_93[%rev3A_102] in [0] : vector<16xi32>, vector<16xi32> -> vector<16xi32>
      %ge3A_104 = arith.cmpf oge, %masked_sort3A_75, %rev3A_98 : vector<16xf32>
      %select_n3A_105 = arith.select %ge3A_104, %masked_sort3A_75, %rev3A_98 : vector<16xi1>, vector<16xf32>
      %select_n3A_106 = arith.select %ge3A_104, %masked_sort3A_76, %rev3A_103 : vector<16xi1>, vector<16xi32>
      %masked_sort3A_107 = arith.constant dense<true> : vector<16xi1>
      %masked_sort3A_108, %masked_sort3A_109, %masked_sort3A_110 = tpu.sort %select_n3A_105, %select_n3A_106 masked %masked_sort3A_107 {descending = true} : (vector<16xf32>, vector<16xi32>, vector<16xi1>) -> (vector<16xi1>, vector<16xf32>, vector<16xi32>)
      %lt3A = arith.constant 0 : i32
      %lt3A_111 = vector.broadcast %lt3A : i32 to vector<16xi32>
      %lt3A_112 = arith.cmpi slt, %min3A_19, %lt3A_111 : vector<16xi32>
      %add3A_113 = arith.constant 16 : i32
      %add3A_114 = vector.broadcast %add3A_113 : i32 to vector<16xi32>
      %add3A_115 = arith.addi %min3A_19, %add3A_114 : vector<16xi32>
      %select_n3A_116 = arith.select %lt3A_112, %add3A_115, %min3A_19 : vector<16xi1>, vector<16xi32>
      %broadcast_in_dim3A = vector.shape_cast %select_n3A_116 : vector<16xi32> to vector<16x1xi32>
      %gather3A = vector.shape_cast %broadcast_in_dim3A : vector<16x1xi32> to vector<16xi32>
      %gather3A_117 = tpu.dynamic_gather %masked_sort3A_109[%gather3A] in [0] : vector<16xf32>, vector<16xi32> -> vector<16xf32>
      %jit3A = arith.constant -1.000000e+00 : f32
      %broadcast_in_dim3A_118 = vector.broadcast %jit3A : f32 to vector<16xf32>
      %select_n3A_119 = arith.select %eq3A_25, %broadcast_in_dim3A_118, %gather3A_117 : vector<16xi1>, vector<16xf32>
      %lt3A_120 = arith.constant 0 : i32
      %lt3A_121 = vector.broadcast %lt3A_120 : i32 to vector<16xi32>
      %lt3A_122 = arith.cmpi slt, %min3A_19, %lt3A_121 : vector<16xi32>
      %add3A_123 = arith.constant 16 : i32
      %add3A_124 = vector.broadcast %add3A_123 : i32 to vector<16xi32>
      %add3A_125 = arith.addi %min3A_19, %add3A_124 : vector<16xi32>
      %select_n3A_126 = arith.select %lt3A_122, %add3A_125, %min3A_19 : vector<16xi1>, vector<16xi32>
      %broadcast_in_dim3A_127 = vector.shape_cast %select_n3A_126 : vector<16xi32> to vector<16x1xi32>
      %gather3A_128 = vector.shape_cast %broadcast_in_dim3A_127 : vector<16x1xi32> to vector<16xi32>
      %gather3A_129 = tpu.dynamic_gather %masked_sort3A_110[%gather3A_128] in [0] : vector<16xi32>, vector<16xi32> -> vector<16xi32>
      %lt3A_130 = arith.constant 0 : i32
      %lt3A_131 = vector.broadcast %lt3A_130 : i32 to vector<16xi32>
      %lt3A_132 = arith.cmpi slt, %max3A_23, %lt3A_131 : vector<16xi32>
      %add3A_133 = arith.constant 16 : i32
      %add3A_134 = vector.broadcast %add3A_133 : i32 to vector<16xi32>
      %add3A_135 = arith.addi %max3A_23, %add3A_134 : vector<16xi32>
      %select_n3A_136 = arith.select %lt3A_132, %add3A_135, %max3A_23 : vector<16xi1>, vector<16xi32>
      %broadcast_in_dim3A_137 = vector.shape_cast %select_n3A_136 : vector<16xi32> to vector<16x1xi32>
      %gather3A_138 = vector.shape_cast %broadcast_in_dim3A_137 : vector<16x1xi32> to vector<16xi32>
      %gather3A_139 = tpu.dynamic_gather %masked_sort3A_109[%gather3A_138] in [0] : vector<16xf32>, vector<16xi32> -> vector<16xf32>
      %jit3A_140 = arith.constant -2.000000e+00 : f32
      %broadcast_in_dim3A_141 = vector.broadcast %jit3A_140 : f32 to vector<16xf32>
      %select_n3A_142 = arith.select %eq3A_28, %broadcast_in_dim3A_141, %gather3A_139 : vector<16xi1>, vector<16xf32>
      %lt3A_143 = arith.constant 0 : i32
      %lt3A_144 = vector.broadcast %lt3A_143 : i32 to vector<16xi32>
      %lt3A_145 = arith.cmpi slt, %max3A_23, %lt3A_144 : vector<16xi32>
      %add3A_146 = arith.constant 16 : i32
      %add3A_147 = vector.broadcast %add3A_146 : i32 to vector<16xi32>
      %add3A_148 = arith.addi %max3A_23, %add3A_147 : vector<16xi32>
      %select_n3A_149 = arith.select %lt3A_145, %add3A_148, %max3A_23 : vector<16xi1>, vector<16xi32>
      %broadcast_in_dim3A_150 = vector.shape_cast %select_n3A_149 : vector<16xi32> to vector<16x1xi32>
      %gather3A_151 = vector.shape_cast %broadcast_in_dim3A_150 : vector<16x1xi32> to vector<16xi32>
      %gather3A_152 = tpu.dynamic_gather %masked_sort3A_110[%gather3A_151] in [0] : vector<16xi32>, vector<16xi32> -> vector<16xi32>
      %eq3A_153 = arith.cmpf oeq, %masked_sort3A_109, %select_n3A_119 : vector<16xf32>
      %min3A_154 = arith.minsi %masked_sort3A_110, %gather3A_129 : vector<16xi32>
      %select_n3A_155 = arith.select %eq3A_153, %min3A_154, %masked_sort3A_110 : vector<16xi1>, vector<16xi32>
      %eq3A_156 = arith.cmpf oeq, %masked_sort3A_109, %select_n3A_142 : vector<16xf32>
      %max3A_157 = arith.maxsi %select_n3A_155, %gather3A_152 : vector<16xi32>
      %select_n3A_158 = arith.select %eq3A_156, %max3A_157, %select_n3A_155 : vector<16xi1>, vector<16xi32>
      %mul3A_159 = arith.constant 2 : i32
      %mul3A_160 = arith.muli %scan3A_34, %mul3A_159 : i32
      %add3A_161 = arith.constant 1 : i32
      %add3A_162 = arith.addi %mul3A_160, %add3A_161 : i32
      %get3A_163 = arith.index_cast %add3A_162 : i32 to index
      %get3A_164 = arith.constant 0 : index
      %get3A_165 = tpu.vector_load %arg5[%get3A_163, %get3A_164] {strides = array<i32>} : memref<128x64xf32, #tpu.memory_space<vmem>>, vector<16xf32>,
      %masked_sort3A_166 = arith.constant dense<true> : vector<16xi1>
      %masked_sort3A_167, %masked_sort3A_168, %masked_sort3A_169 = tpu.sort %get3A_165, %add3A_5 masked %masked_sort3A_166 {descending = true} : (vector<16xf32>, vector<16xi32>, vector<16xi1>) -> (vector<16xi1>, vector<16xf32>, vector<16xi32>)
      %get3A_170 = arith.index_cast %add3A_162 : i32 to index
      %get3A_171 = arith.constant 16 : index
      %get3A_172 = tpu.vector_load %arg5[%get3A_170, %get3A_171] {strides = array<i32>} : memref<128x64xf32, #tpu.memory_space<vmem>>, vector<16xf32>,
      %masked_sort3A_173 = arith.constant dense<true> : vector<16xi1>
      %masked_sort3A_174, %masked_sort3A_175, %masked_sort3A_176 = tpu.sort %get3A_172, %add3A_8 masked %masked_sort3A_173 {descending = true} : (vector<16xf32>, vector<16xi32>, vector<16xi1>) -> (vector<16xi1>, vector<16xf32>, vector<16xi32>)
      %get3A_177 = arith.index_cast %add3A_162 : i32 to index
      %get3A_178 = arith.constant 32 : index
      %get3A_179 = tpu.vector_load %arg5[%get3A_177, %get3A_178] {strides = array<i32>} : memref<128x64xf32, #tpu.memory_space<vmem>>, vector<16xf32>,
      %masked_sort3A_180 = arith.constant dense<true> : vector<16xi1>
      %masked_sort3A_181, %masked_sort3A_182, %masked_sort3A_183 = tpu.sort %get3A_179, %add3A_11 masked %masked_sort3A_180 {descending = true} : (vector<16xf32>, vector<16xi32>, vector<16xi1>) -> (vector<16xi1>, vector<16xf32>, vector<16xi32>)
      %get3A_184 = arith.index_cast %add3A_162 : i32 to index
      %get3A_185 = arith.constant 48 : index
      %get3A_186 = tpu.vector_load %arg5[%get3A_184, %get3A_185] {strides = array<i32>} : memref<128x64xf32, #tpu.memory_space<vmem>>, vector<16xf32>,
      %masked_sort3A_187 = arith.constant dense<true> : vector<16xi1>
      %masked_sort3A_188, %masked_sort3A_189, %masked_sort3A_190 = tpu.sort %get3A_186, %add3A_14 masked %masked_sort3A_187 {descending = true} : (vector<16xf32>, vector<16xi32>, vector<16xi1>) -> (vector<16xi1>, vector<16xf32>, vector<16xi32>)
      %rev3A_191 = arith.constant 15 : i32
      %rev3A_192 = vector.broadcast %rev3A_191 : i32 to vector<16xi32>
      %rev3A_193 = tpu.iota {dimensions = array<i32: 0>} : vector<16xi32>
      %rev3A_194 = arith.subi %rev3A_192, %rev3A_193 : vector<16xi32>
      %rev3A_195 = tpu.dynamic_gather %masked_sort3A_175[%rev3A_194] in [0] : vector<16xf32>, vector<16xi32> -> vector<16xf32>
      %rev3A_196 = arith.constant 15 : i32
      %rev3A_197 = vector.broadcast %rev3A_196 : i32 to vector<16xi32>
      %rev3A_198 = tpu.iota {dimensions = array<i32: 0>} : vector<16xi32>
      %rev3A_199 = arith.subi %rev3A_197, %rev3A_198 : vector<16xi32>
      %rev3A_200 = tpu.dynamic_gather %masked_sort3A_176[%rev3A_199] in [0] : vector<16xi32>, vector<16xi32> -> vector<16xi32>
      %ge3A_201 = arith.cmpf oge, %masked_sort3A_168, %rev3A_195 : vector<16xf32>
      %select_n3A_202 = arith.select %ge3A_201, %masked_sort3A_168, %rev3A_195 : vector<16xi1>, vector<16xf32>
      %select_n3A_203 = arith.select %ge3A_201, %masked_sort3A_169, %rev3A_200 : vector<16xi1>, vector<16xi32>
      %masked_sort3A_204 = arith.constant dense<true> : vector<16xi1>
      %masked_sort3A_205, %masked_sort3A_206, %masked_sort3A_207 = tpu.sort %select_n3A_202, %select_n3A_203 masked %masked_sort3A_204 {descending = true} : (vector<16xf32>, vector<16xi32>, vector<16xi1>) -> (vector<16xi1>, vector<16xf32>, vector<16xi32>)
      %rev3A_208 = arith.constant 15 : i32
      %rev3A_209 = vector.broadcast %rev3A_208 : i32 to vector<16xi32>
      %rev3A_210 = tpu.iota {dimensions = array<i32: 0>} : vector<16xi32>
      %rev3A_211 = arith.subi %rev3A_209, %rev3A_210 : vector<16xi32>
      %rev3A_212 = tpu.dynamic_gather %masked_sort3A_189[%rev3A_211] in [0] : vector<16xf32>, vector<16xi32> -> vector<16xf32>
      %rev3A_213 = arith.constant 15 : i32
      %rev3A_214 = vector.broadcast %rev3A_213 : i32 to vector<16xi32>
      %rev3A_215 = tpu.iota {dimensions = array<i32: 0>} : vector<16xi32>
      %rev3A_216 = arith.subi %rev3A_214, %rev3A_215 : vector<16xi32>
      %rev3A_217 = tpu.dynamic_gather %masked_sort3A_190[%rev3A_216] in [0] : vector<16xi32>, vector<16xi32> -> vector<16xi32>
      %ge3A_218 = arith.cmpf oge, %masked_sort3A_182, %rev3A_212 : vector<16xf32>
      %select_n3A_219 = arith.select %ge3A_218, %masked_sort3A_182, %rev3A_212 : vector<16xi1>, vector<16xf32>
      %select_n3A_220 = arith.select %ge3A_218, %masked_sort3A_183, %rev3A_217 : vector<16xi1>, vector<16xi32>
      %masked_sort3A_221 = arith.constant dense<true> : vector<16xi1>
      %masked_sort3A_222, %masked_sort3A_223, %masked_sort3A_224 = tpu.sort %select_n3A_219, %select_n3A_220 masked %masked_sort3A_221 {descending = true} : (vector<16xf32>, vector<16xi32>, vector<16xi1>) -> (vector<16xi1>, vector<16xf32>, vector<16xi32>)
      %rev3A_225 = arith.constant 15 : i32
      %rev3A_226 = vector.broadcast %rev3A_225 : i32 to vector<16xi32>
      %rev3A_227 = tpu.iota {dimensions = array<i32: 0>} : vector<16xi32>
      %rev3A_228 = arith.subi %rev3A_226, %rev3A_227 : vector<16xi32>
      %rev3A_229 = tpu.dynamic_gather %masked_sort3A_223[%rev3A_228] in [0] : vector<16xf32>, vector<16xi32> -> vector<16xf32>
      %rev3A_230 = arith.constant 15 : i32
      %rev3A_231 = vector.broadcast %rev3A_230 : i32 to vector<16xi32>
      %rev3A_232 = tpu.iota {dimensions = array<i32: 0>} : vector<16xi32>
      %rev3A_233 = arith.subi %rev3A_231, %rev3A_232 : vector<16xi32>
      %rev3A_234 = tpu.dynamic_gather %masked_sort3A_224[%rev3A_233] in [0] : vector<16xi32>, vector<16xi32> -> vector<16xi32>
      %ge3A_235 = arith.cmpf oge, %masked_sort3A_206, %rev3A_229 : vector<16xf32>
      %select_n3A_236 = arith.select %ge3A_235, %masked_sort3A_206, %rev3A_229 : vector<16xi1>, vector<16xf32>
      %select_n3A_237 = arith.select %ge3A_235, %masked_sort3A_207, %rev3A_234 : vector<16xi1>, vector<16xi32>
      %masked_sort3A_238 = arith.constant dense<true> : vector<16xi1>
      %masked_sort3A_239, %masked_sort3A_240, %masked_sort3A_241 = tpu.sort %select_n3A_236, %select_n3A_237 masked %masked_sort3A_238 {descending = true} : (vector<16xf32>, vector<16xi32>, vector<16xi1>) -> (vector<16xi1>, vector<16xf32>, vector<16xi32>)
      %lt3A_242 = arith.constant 0 : i32
      %lt3A_243 = vector.broadcast %lt3A_242 : i32 to vector<16xi32>
      %lt3A_244 = arith.cmpi slt, %min3A_19, %lt3A_243 : vector<16xi32>
      %add3A_245 = arith.constant 16 : i32
      %add3A_246 = vector.broadcast %add3A_245 : i32 to vector<16xi32>
      %add3A_247 = arith.addi %min3A_19, %add3A_246 : vector<16xi32>
      %select_n3A_248 = arith.select %lt3A_244, %add3A_247, %min3A_19 : vector<16xi1>, vector<16xi32>
      %broadcast_in_dim3A_249 = vector.shape_cast %select_n3A_248 : vector<16xi32> to vector<16x1xi32>
      %gather3A_250 = vector.shape_cast %broadcast_in_dim3A_249 : vector<16x1xi32> to vector<16xi32>
      %gather3A_251 = tpu.dynamic_gather %masked_sort3A_240[%gather3A_250] in [0] : vector<16xf32>, vector<16xi32> -> vector<16xf32>
      %jit3A_252 = arith.constant -1.000000e+00 : f32
      %broadcast_in_dim3A_253 = vector.broadcast %jit3A_252 : f32 to vector<16xf32>
      %select_n3A_254 = arith.select %eq3A_25, %broadcast_in_dim3A_253, %gather3A_251 : vector<16xi1>, vector<16xf32>
      %lt3A_255 = arith.constant 0 : i32
      %lt3A_256 = vector.broadcast %lt3A_255 : i32 to vector<16xi32>
      %lt3A_257 = arith.cmpi slt, %min3A_19, %lt3A_256 : vector<16xi32>
      %add3A_258 = arith.constant 16 : i32
      %add3A_259 = vector.broadcast %add3A_258 : i32 to vector<16xi32>
      %add3A_260 = arith.addi %min3A_19, %add3A_259 : vector<16xi32>
      %select_n3A_261 = arith.select %lt3A_257, %add3A_260, %min3A_19 : vector<16xi1>, vector<16xi32>
      %broadcast_in_dim3A_262 = vector.shape_cast %select_n3A_261 : vector<16xi32> to vector<16x1xi32>
      %gather3A_263 = vector.shape_cast %broadcast_in_dim3A_262 : vector<16x1xi32> to vector<16xi32>
      %gather3A_264 = tpu.dynamic_gather %masked_sort3A_241[%gather3A_263] in [0] : vector<16xi32>, vector<16xi32> -> vector<16xi32>
      %lt3A_265 = arith.constant 0 : i32
      %lt3A_266 = vector.broadcast %lt3A_265 : i32 to vector<16xi32>
      %lt3A_267 = arith.cmpi slt, %max3A_23, %lt3A_266 : vector<16xi32>
      %add3A_268 = arith.constant 16 : i32
      %add3A_269 = vector.broadcast %add3A_268 : i32 to vector<16xi32>
      %add3A_270 = arith.addi %max3A_23, %add3A_269 : vector<16xi32>
      %select_n3A_271 = arith.select %lt3A_267, %add3A_270, %max3A_23 : vector<16xi1>, vector<16xi32>
      %broadcast_in_dim3A_272 = vector.shape_cast %select_n3A_271 : vector<16xi32> to vector<16x1xi32>
      %gather3A_273 = vector.shape_cast %broadcast_in_dim3A_272 : vector<16x1xi32> to vector<16xi32>
      %gather3A_274 = tpu.dynamic_gather %masked_sort3A_240[%gather3A_273] in [0] : vector<16xf32>, vector<16xi32> -> vector<16xf32>
      %jit3A_275 = arith.constant -2.000000e+00 : f32
      %broadcast_in_dim3A_276 = vector.broadcast %jit3A_275 : f32 to vector<16xf32>
      %select_n3A_277 = arith.select %eq3A_28, %broadcast_in_dim3A_276, %gather3A_274 : vector<16xi1>, vector<16xf32>
      %lt3A_278 = arith.constant 0 : i32
      %lt3A_279 = vector.broadcast %lt3A_278 : i32 to vector<16xi32>
      %lt3A_280 = arith.cmpi slt, %max3A_23, %lt3A_279 : vector<16xi32>
      %add3A_281 = arith.constant 16 : i32
      %add3A_282 = vector.broadcast %add3A_281 : i32 to vector<16xi32>
      %add3A_283 = arith.addi %max3A_23, %add3A_282 : vector<16xi32>
      %select_n3A_284 = arith.select %lt3A_280, %add3A_283, %max3A_23 : vector<16xi1>, vector<16xi32>
      %broadcast_in_dim3A_285 = vector.shape_cast %select_n3A_284 : vector<16xi32> to vector<16x1xi32>
      %gather3A_286 = vector.shape_cast %broadcast_in_dim3A_285 : vector<16x1xi32> to vector<16xi32>
      %gather3A_287 = tpu.dynamic_gather %masked_sort3A_241[%gather3A_286] in [0] : vector<16xi32>, vector<16xi32> -> vector<16xi32>
      %eq3A_288 = arith.cmpf oeq, %masked_sort3A_240, %select_n3A_254 : vector<16xf32>
      %min3A_289 = arith.minsi %masked_sort3A_241, %gather3A_264 : vector<16xi32>
      %select_n3A_290 = arith.select %eq3A_288, %min3A_289, %masked_sort3A_241 : vector<16xi1>, vector<16xi32>
      %eq3A_291 = arith.cmpf oeq, %masked_sort3A_240, %select_n3A_277 : vector<16xf32>
      %max3A_292 = arith.maxsi %select_n3A_290, %gather3A_287 : vector<16xi32>
      %select_n3A_293 = arith.select %eq3A_291, %max3A_292, %select_n3A_290 : vector<16xi1>, vector<16xi32>
      %mul3A_294 = arith.constant 2 : i32
      %mul3A_295 = arith.muli %scan3A_34, %mul3A_294 : i32
      %swap3A = arith.index_cast %mul3A_295 : i32 to index
      %swap3A_296 = arith.constant 0 : index
      %swap3A_297 = tpu.vector_load %arg6[%swap3A, %swap3A_296] {strides = array<i32>} : memref<128x16xf32, #tpu.memory_space<vmem>>, vector<16xf32>,
      tpu.vector_store %arg6[%swap3A, %swap3A_296], %masked_sort3A_109 {strides = array<i32>} : memref<128x16xf32, #tpu.memory_space<vmem>>, vector<16xf32>,
      %mul3A_298 = arith.constant 2 : i32
      %mul3A_299 = arith.muli %scan3A_34, %mul3A_298 : i32
      %swap3A_300 = arith.index_cast %mul3A_299 : i32 to index
      %swap3A_301 = arith.constant 0 : index
      %swap3A_302 = tpu.vector_load %arg7[%swap3A_300, %swap3A_301] {strides = array<i32>} : memref<128x16xi32, #tpu.memory_space<vmem>>, vector<16xi32>,
      tpu.vector_store %arg7[%swap3A_300, %swap3A_301], %select_n3A_158 {strides = array<i32>} : memref<128x16xi32, #tpu.memory_space<vmem>>, vector<16xi32>,
      %mul3A_303 = arith.constant 2 : i32
      %mul3A_304 = arith.muli %scan3A_34, %mul3A_303 : i32
      %add3A_305 = arith.constant 1 : i32
      %add3A_306 = arith.addi %mul3A_304, %add3A_305 : i32
      %swap3A_307 = arith.index_cast %add3A_306 : i32 to index
      %swap3A_308 = arith.constant 0 : index
      %swap3A_309 = tpu.vector_load %arg6[%swap3A_307, %swap3A_308] {strides = array<i32>} : memref<128x16xf32, #tpu.memory_space<vmem>>, vector<16xf32>,
      tpu.vector_store %arg6[%swap3A_307, %swap3A_308], %masked_sort3A_240 {strides = array<i32>} : memref<128x16xf32, #tpu.memory_space<vmem>>, vector<16xf32>,
      %mul3A_310 = arith.constant 2 : i32
      %mul3A_311 = arith.muli %scan3A_34, %mul3A_310 : i32
      %add3A_312 = arith.constant 1 : i32
      %add3A_313 = arith.addi %mul3A_311, %add3A_312 : i32
      %swap3A_314 = arith.index_cast %add3A_313 : i32 to index
      %swap3A_315 = arith.constant 0 : index
      %swap3A_316 = tpu.vector_load %arg7[%swap3A_314, %swap3A_315] {strides = array<i32>} : memref<128x16xi32, #tpu.memory_space<vmem>>, vector<16xi32>,
      tpu.vector_store %arg7[%swap3A_314, %swap3A_315], %select_n3A_293 {strides = array<i32>} : memref<128x16xi32, #tpu.memory_space<vmem>>, vector<16xi32>,
    }
    %scan3A_33 = arith.constant 64 : i32
    "tpu.region"() ({
      %run_scoped3A = tpu.sem_alloc : memref<!tpu.dma_semaphore, #tpu.memory_space<semaphore_mem>>
      %dma_start3A = arith.constant 0 : i32
      %dma_start3A_34 = tpu.memref_slice %arg3[%multiple_of3A, %dma_start3A] : memref<4096x16xf32, #tpu.memory_space<hbm>> -> memref<128x16xf32, #tpu.memory_space<hbm>>
      %dma_start3A_35 = arith.constant 0 : i32
      %dma_start3A_36 = tpu.memref_slice %arg3[%multiple_of3A, %dma_start3A_35] : memref<4096x16xf32, #tpu.memory_space<hbm>> -> memref<128x16xf32, #tpu.memory_space<hbm>>
      tpu.enqueue_dma source(%arg6 : memref<128x16xf32, #tpu.memory_space<vmem>>) target(%dma_start3A_36 : memref<128x16xf32, #tpu.memory_space<hbm>>) target_semaphore(%run_scoped3A : memref<!tpu.dma_semaphore, #tpu.memory_space<semaphore_mem>>)
      %dma_wait3A = arith.constant 0 : i32
      %dma_wait3A_37 = tpu.memref_slice %arg3[%multiple_of3A, %dma_wait3A] : memref<4096x16xf32, #tpu.memory_space<hbm>> -> memref<128x16xf32, #tpu.memory_space<hbm>>
      %dma_wait3A_38 = arith.constant 0 : i32
      %dma_wait3A_39 = tpu.memref_slice %arg3[%multiple_of3A, %dma_wait3A_38] : memref<4096x16xf32, #tpu.memory_space<hbm>> -> memref<128x16xf32, #tpu.memory_space<hbm>>
      tpu.wait_dma2 semaphore(%run_scoped3A : memref<!tpu.dma_semaphore, #tpu.memory_space<semaphore_mem>>) src(%arg6 : memref<128x16xf32, #tpu.memory_space<vmem>>) dst(%dma_wait3A_39 : memref<128x16xf32, #tpu.memory_space<hbm>>)
      tpu.yield
    }) : () -> ()
    "tpu.region"() ({
      %run_scoped3A = tpu.sem_alloc : memref<!tpu.dma_semaphore, #tpu.memory_space<semaphore_mem>>
      %dma_start3A = arith.constant 0 : i32
      %dma_start3A_34 = tpu.memref_slice %arg4[%multiple_of3A, %dma_start3A] : memref<4096x16xi32, #tpu.memory_space<hbm>> -> memref<128x16xi32, #tpu.memory_space<hbm>>
      %dma_start3A_35 = arith.constant 0 : i32
      %dma_start3A_36 = tpu.memref_slice %arg4[%multiple_of3A, %dma_start3A_35] : memref<4096x16xi32, #tpu.memory_space<hbm>> -> memref<128x16xi32, #tpu.memory_space<hbm>>
      tpu.enqueue_dma source(%arg7 : memref<128x16xi32, #tpu.memory_space<vmem>>) target(%dma_start3A_36 : memref<128x16xi32, #tpu.memory_space<hbm>>) target_semaphore(%run_scoped3A : memref<!tpu.dma_semaphore, #tpu.memory_space<semaphore_mem>>)
      %dma_wait3A = arith.constant 0 : i32
      %dma_wait3A_37 = tpu.memref_slice %arg4[%multiple_of3A, %dma_wait3A] : memref<4096x16xi32, #tpu.memory_space<hbm>> -> memref<128x16xi32, #tpu.memory_space<hbm>>
      %dma_wait3A_38 = arith.constant 0 : i32
      %dma_wait3A_39 = tpu.memref_slice %arg4[%multiple_of3A, %dma_wait3A_38] : memref<4096x16xi32, #tpu.memory_space<hbm>> -> memref<128x16xi32, #tpu.memory_space<hbm>>
      tpu.wait_dma2 semaphore(%run_scoped3A : memref<!tpu.dma_semaphore, #tpu.memory_space<semaphore_mem>>) src(%arg7 : memref<128x16xi32, #tpu.memory_space<vmem>>) dst(%dma_wait3A_39 : memref<128x16xi32, #tpu.memory_space<hbm>>)
      tpu.yield
    }) : () -> ()
    return
  }
}

#map = affine_map<(d0, d1) -> (0, 0)>
module attributes {stable_mosaic.version = 14 : i64} {
  func.func @_topk_sc(%arg0: i32, %arg1: i32, %arg2: memref<4096x64xf32, #tpu.memory_space<hbm>>, %arg3: memref<4096x16xf32, #tpu.memory_space<hbm>>, %arg4: memref<4096x16xi32, #tpu.memory_space<hbm>>, %arg5: memref<128x64xf32, #tpu.memory_space<vmem>>, %arg6: memref<128x16xf32, #tpu.memory_space<vmem>>, %arg7: memref<128x16xi32, #tpu.memory_space<vmem>>) attributes {dimension_semantics = [#tpu.dimension_semantics<core_parallel>, #tpu.dimension_semantics<subcore_parallel>], iteration_bounds = array<i64: 2, 16>, scalar_prefetch = 0 : i64, scratch_operands = 3 : i64, tpu.core_type = #tpu.core_type<sc_vector_subcore>, window_params = [{transform_indices = #map}, {transform_indices = #map}, {transform_indices = #map}]} {
    %mul3A = arith.constant 2 : i32
    %mul3A_0 = arith.muli %arg1, %mul3A : i32
    %add3A = arith.addi %mul3A_0, %arg0 : i32
    %mul3A_1 = arith.constant 128 : i32
    %mul3A_2 = arith.muli %add3A, %mul3A_1 : i32
    %multiple_of3A = tpu.assume_multiple %mul3A_2, 128 : i32
    "tpu.region"() ({
      %run_scoped3A = tpu.sem_alloc : memref<!tpu.dma_semaphore, #tpu.memory_space<semaphore_mem>>
      %dma_start3A = arith.constant 0 : i32
      %dma_start3A_34 = tpu.memref_slice %arg2[%multiple_of3A, %dma_start3A] : memref<4096x64xf32, #tpu.memory_space<hbm>> -> memref<128x64xf32, #tpu.memory_space<hbm>>
      %dma_start3A_35 = arith.constant 0 : i32
      %dma_start3A_36 = tpu.memref_slice %arg2[%multiple_of3A, %dma_start3A_35] : memref<4096x64xf32, #tpu.memory_space<hbm>> -> memref<128x64xf32, #tpu.memory_space<hbm>>
      tpu.enqueue_dma source(%dma_start3A_36 : memref<128x64xf32, #tpu.memory_space<hbm>>) target(%arg5 : memref<128x64xf32, #tpu.memory_space<vmem>>) target_semaphore(%run_scoped3A : memref<!tpu.dma_semaphore, #tpu.memory_space<semaphore_mem>>)
      %dma_wait3A = arith.constant 0 : i32
      %dma_wait3A_37 = tpu.memref_slice %arg2[%multiple_of3A, %dma_wait3A] : memref<4096x64xf32, #tpu.memory_space<hbm>> -> memref<128x64xf32, #tpu.memory_space<hbm>>
      %dma_wait3A_38 = arith.constant 0 : i32
      %dma_wait3A_39 = tpu.memref_slice %arg2[%multiple_of3A, %dma_wait3A_38] : memref<4096x64xf32, #tpu.memory_space<hbm>> -> memref<128x64xf32, #tpu.memory_space<hbm>>
      tpu.wait_dma2 semaphore(%run_scoped3A : memref<!tpu.dma_semaphore, #tpu.memory_space<semaphore_mem>>) src(%dma_wait3A_39 : memref<128x64xf32, #tpu.memory_space<hbm>>) dst(%arg5 : memref<128x64xf32, #tpu.memory_space<vmem>>)
      tpu.yield
    }) : () -> ()
    %iota3A = tpu.iota {dimensions = array<i32: 0>} : vector<16xi32>
    %add3A_3 = arith.constant 0 : i32
    %add3A_4 = vector.broadcast %add3A_3 : i32 to vector<16xi32>
    %add3A_5 = arith.addi %iota3A, %add3A_4 : vector<16xi32>
    %add3A_6 = arith.constant 16 : i32
    %add3A_7 = vector.broadcast %add3A_6 : i32 to vector<16xi32>
    %add3A_8 = arith.addi %iota3A, %add3A_7 : vector<16xi32>
    %add3A_9 = arith.constant 32 : i32
    %add3A_10 = vector.broadcast %add3A_9 : i32 to vector<16xi32>
    %add3A_11 = arith.addi %iota3A, %add3A_10 : vector<16xi32>
    %add3A_12 = arith.constant 48 : i32
    %add3A_13 = vector.broadcast %add3A_12 : i32 to vector<16xi32>
    %add3A_14 = arith.addi %iota3A, %add3A_13 : vector<16xi32>
    %add3A_15 = arith.constant 1 : i32
    %add3A_16 = vector.broadcast %add3A_15 : i32 to vector<16xi32>
    %add3A_17 = arith.addi %iota3A, %add3A_16 : vector<16xi32>
    %min3A = arith.constant 15 : i32
    %min3A_18 = vector.broadcast %min3A : i32 to vector<16xi32>
    %min3A_19 = arith.minsi %add3A_17, %min3A_18 : vector<16xi32>
    %sub3A = arith.constant 1 : i32
    %sub3A_20 = vector.broadcast %sub3A : i32 to vector<16xi32>
    %sub3A_21 = arith.subi %iota3A, %sub3A_20 : vector<16xi32>
    %max3A = arith.constant 0 : i32
    %max3A_22 = vector.broadcast %max3A : i32 to vector<16xi32>
    %max3A_23 = arith.maxsi %sub3A_21, %max3A_22 : vector<16xi32>
    %eq3A = arith.constant 15 : i32
    %eq3A_24 = vector.broadcast %eq3A : i32 to vector<16xi32>
    %eq3A_25 = arith.cmpi eq, %iota3A, %eq3A_24 : vector<16xi32>
    %eq3A_26 = arith.constant 0 : i32
    %eq3A_27 = vector.broadcast %eq3A_26 : i32 to vector<16xi32>
    %eq3A_28 = arith.cmpi eq, %iota3A, %eq3A_27 : vector<16xi32>
    %scan3A = arith.constant 0 : i32
    %scan3A_29 = arith.constant 0 : i32
    %scan3A_30 = arith.constant 64 : i32
    %scan3A_31 = arith.addi %scan3A_29, %scan3A_30 : i32
    %scan3A_32 = arith.constant 1 : i32
    scf.for %scan3A_34 = %scan3A_29 to %scan3A_31 step %scan3A_32  : i32 {
      %mul3A_35 = arith.constant 2 : i32
      %mul3A_36 = arith.muli %scan3A_34, %mul3A_35 : i32
      %get3A = arith.index_cast %mul3A_36 : i32 to index
      %get3A_37 = arith.constant 0 : index
      %get3A_38 = tpu.vector_load %arg5[%get3A, %get3A_37] {strides = array<i32>} : memref<128x64xf32, #tpu.memory_space<vmem>>, vector<16xf32>,
      %masked_sort3A = arith.constant dense<true> : vector<16xi1>
      %masked_sort3A_39, %masked_sort3A_40, %masked_sort3A_41 = tpu.sort %get3A_38, %add3A_5 masked %masked_sort3A {descending = true} : (vector<16xf32>, vector<16xi32>, vector<16xi1>) -> (vector<16xi1>, vector<16xf32>, vector<16xi32>)
      %get3A_42 = arith.index_cast %mul3A_36 : i32 to index
      %get3A_43 = arith.constant 16 : index
      %get3A_44 = tpu.vector_load %arg5[%get3A_42, %get3A_43] {strides = array<i32>} : memref<128x64xf32, #tpu.memory_space<vmem>>, vector<16xf32>,
      %masked_sort3A_45 = arith.constant dense<true> : vector<16xi1>
      %masked_sort3A_46, %masked_sort3A_47, %masked_sort3A_48 = tpu.sort %get3A_44, %add3A_8 masked %masked_sort3A_45 {descending = true} : (vector<16xf32>, vector<16xi32>, vector<16xi1>) -> (vector<16xi1>, vector<16xf32>, vector<16xi32>)
      %get3A_49 = arith.index_cast %mul3A_36 : i32 to index
      %get3A_50 = arith.constant 32 : index
      %get3A_51 = tpu.vector_load %arg5[%get3A_49, %get3A_50] {strides = array<i32>} : memref<128x64xf32, #tpu.memory_space<vmem>>, vector<16xf32>,
      %masked_sort3A_52 = arith.constant dense<true> : vector<16xi1>
      %masked_sort3A_53, %masked_sort3A_54, %masked_sort3A_55 = tpu.sort %get3A_51, %add3A_11 masked %masked_sort3A_52 {descending = true} : (vector<16xf32>, vector<16xi32>, vector<16xi1>) -> (vector<16xi1>, vector<16xf32>, vector<16xi32>)
      %get3A_56 = arith.index_cast %mul3A_36 : i32 to index
      %get3A_57 = arith.constant 48 : index
      %get3A_58 = tpu.vector_load %arg5[%get3A_56, %get3A_57] {strides = array<i32>} : memref<128x64xf32, #tpu.memory_space<vmem>>, vector<16xf32>,
      %masked_sort3A_59 = arith.constant dense<true> : vector<16xi1>
      %masked_sort3A_60, %masked_sort3A_61, %masked_sort3A_62 = tpu.sort %get3A_58, %add3A_14 masked %masked_sort3A_59 {descending = true} : (vector<16xf32>, vector<16xi32>, vector<16xi1>) -> (vector<16xi1>, vector<16xf32>, vector<16xi32>)
      %rev3A = arith.constant 15 : i32
      %rev3A_63 = vector.broadcast %rev3A : i32 to vector<16xi32>
      %rev3A_64 = tpu.iota {dimensions = array<i32: 0>} : vector<16xi32>
      %rev3A_65 = arith.subi %rev3A_63, %rev3A_64 : vector<16xi32>
      %rev3A_66 = tpu.dynamic_gather %masked_sort3A_47[%rev3A_65] in [0] : vector<16xf32>, vector<16xi32> -> vector<16xf32>
      %rev3A_67 = arith.constant 15 : i32
      %rev3A_68 = vector.broadcast %rev3A_67 : i32 to vector<16xi32>
      %rev3A_69 = tpu.iota {dimensions = array<i32: 0>} : vector<16xi32>
      %rev3A_70 = arith.subi %rev3A_68, %rev3A_69 : vector<16xi32>
      %rev3A_71 = tpu.dynamic_gather %masked_sort3A_48[%rev3A_70] in [0] : vector<16xi32>, vector<16xi32> -> vector<16xi32>
      %ge3A = arith.cmpf oge, %masked_sort3A_40, %rev3A_66 : vector<16xf32>
      %select_n3A = arith.select %ge3A, %masked_sort3A_40, %rev3A_66 : vector<16xi1>, vector<16xf32>
      %select_n3A_72 = arith.select %ge3A, %masked_sort3A_41, %rev3A_71 : vector<16xi1>, vector<16xi32>
      %masked_sort3A_73 = arith.constant dense<true> : vector<16xi1>
      %masked_sort3A_74, %masked_sort3A_75, %masked_sort3A_76 = tpu.sort %select_n3A, %select_n3A_72 masked %masked_sort3A_73 {descending = true} : (vector<16xf32>, vector<16xi32>, vector<16xi1>) -> (vector<16xi1>, vector<16xf32>, vector<16xi32>)
      %rev3A_77 = arith.constant 15 : i32
      %rev3A_78 = vector.broadcast %rev3A_77 : i32 to vector<16xi32>
      %rev3A_79 = tpu.iota {dimensions = array<i32: 0>} : vector<16xi32>
      %rev3A_80 = arith.subi %rev3A_78, %rev3A_79 : vector<16xi32>
      %rev3A_81 = tpu.dynamic_gather %masked_sort3A_61[%rev3A_80] in [0] : vector<16xf32>, vector<16xi32> -> vector<16xf32>
      %rev3A_82 = arith.constant 15 : i32
      %rev3A_83 = vector.broadcast %rev3A_82 : i32 to vector<16xi32>
      %rev3A_84 = tpu.iota {dimensions = array<i32: 0>} : vector<16xi32>
      %rev3A_85 = arith.subi %rev3A_83, %rev3A_84 : vector<16xi32>
      %rev3A_86 = tpu.dynamic_gather %masked_sort3A_62[%rev3A_85] in [0] : vector<16xi32>, vector<16xi32> -> vector<16xi32>
      %ge3A_87 = arith.cmpf oge, %masked_sort3A_54, %rev3A_81 : vector<16xf32>
      %select_n3A_88 = arith.select %ge3A_87, %masked_sort3A_54, %rev3A_81 : vector<16xi1>, vector<16xf32>
      %select_n3A_89 = arith.select %ge3A_87, %masked_sort3A_55, %rev3A_86 : vector<16xi1>, vector<16xi32>
      %masked_sort3A_90 = arith.constant dense<true> : vector<16xi1>
      %masked_sort3A_91, %masked_sort3A_92, %masked_sort3A_93 = tpu.sort %select_n3A_88, %select_n3A_89 masked %masked_sort3A_90 {descending = true} : (vector<16xf32>, vector<16xi32>, vector<16xi1>) -> (vector<16xi1>, vector<16xf32>, vector<16xi32>)
      %rev3A_94 = arith.constant 15 : i32
      %rev3A_95 = vector.broadcast %rev3A_94 : i32 to vector<16xi32>
      %rev3A_96 = tpu.iota {dimensions = array<i32: 0>} : vector<16xi32>
      %rev3A_97 = arith.subi %rev3A_95, %rev3A_96 : vector<16xi32>
      %rev3A_98 = tpu.dynamic_gather %masked_sort3A_92[%rev3A_97] in [0] : vector<16xf32>, vector<16xi32> -> vector<16xf32>
      %rev3A_99 = arith.constant 15 : i32
      %rev3A_100 = vector.broadcast %rev3A_99 : i32 to vector<16xi32>
      %rev3A_101 = tpu.iota {dimensions = array<i32: 0>} : vector<16xi32>
      %rev3A_102 = arith.subi %rev3A_100, %rev3A_101 : vector<16xi32>
      %rev3A_103 = tpu.dynamic_gather %masked_sort3A_93[%rev3A_102] in [0] : vector<16xi32>, vector<16xi32> -> vector<16xi32>
      %ge3A_104 = arith.cmpf oge, %masked_sort3A_75, %rev3A_98 : vector<16xf32>
      %select_n3A_105 = arith.select %ge3A_104, %masked_sort3A_75, %rev3A_98 : vector<16xi1>, vector<16xf32>
      %select_n3A_106 = arith.select %ge3A_104, %masked_sort3A_76, %rev3A_103 : vector<16xi1>, vector<16xi32>
      %masked_sort3A_107 = arith.constant dense<true> : vector<16xi1>
      %masked_sort3A_108, %masked_sort3A_109, %masked_sort3A_110 = tpu.sort %select_n3A_105, %select_n3A_106 masked %masked_sort3A_107 {descending = true} : (vector<16xf32>, vector<16xi32>, vector<16xi1>) -> (vector<16xi1>, vector<16xf32>, vector<16xi32>)
      %lt3A = arith.constant 0 : i32
      %lt3A_111 = vector.broadcast %lt3A : i32 to vector<16xi32>
      %lt3A_112 = arith.cmpi slt, %min3A_19, %lt3A_111 : vector<16xi32>
      %add3A_113 = arith.constant 16 : i32
      %add3A_114 = vector.broadcast %add3A_113 : i32 to vector<16xi32>
      %add3A_115 = arith.addi %min3A_19, %add3A_114 : vector<16xi32>
      %select_n3A_116 = arith.select %lt3A_112, %add3A_115, %min3A_19 : vector<16xi1>, vector<16xi32>
      %broadcast_in_dim3A = vector.shape_cast %select_n3A_116 : vector<16xi32> to vector<16x1xi32>
      %gather3A = vector.shape_cast %broadcast_in_dim3A : vector<16x1xi32> to vector<16xi32>
      %gather3A_117 = tpu.dynamic_gather %masked_sort3A_109[%gather3A] in [0] : vector<16xf32>, vector<16xi32> -> vector<16xf32>
      %jit3A = arith.constant -1.000000e+00 : f32
      %broadcast_in_dim3A_118 = vector.broadcast %jit3A : f32 to vector<16xf32>
      %select_n3A_119 = arith.select %eq3A_25, %broadcast_in_dim3A_118, %gather3A_117 : vector<16xi1>, vector<16xf32>
      %lt3A_120 = arith.constant 0 : i32
      %lt3A_121 = vector.broadcast %lt3A_120 : i32 to vector<16xi32>
      %lt3A_122 = arith.cmpi slt, %min3A_19, %lt3A_121 : vector<16xi32>
      %add3A_123 = arith.constant 16 : i32
      %add3A_124 = vector.broadcast %add3A_123 : i32 to vector<16xi32>
      %add3A_125 = arith.addi %min3A_19, %add3A_124 : vector<16xi32>
      %select_n3A_126 = arith.select %lt3A_122, %add3A_125, %min3A_19 : vector<16xi1>, vector<16xi32>
      %broadcast_in_dim3A_127 = vector.shape_cast %select_n3A_126 : vector<16xi32> to vector<16x1xi32>
      %gather3A_128 = vector.shape_cast %broadcast_in_dim3A_127 : vector<16x1xi32> to vector<16xi32>
      %gather3A_129 = tpu.dynamic_gather %masked_sort3A_110[%gather3A_128] in [0] : vector<16xi32>, vector<16xi32> -> vector<16xi32>
      %lt3A_130 = arith.constant 0 : i32
      %lt3A_131 = vector.broadcast %lt3A_130 : i32 to vector<16xi32>
      %lt3A_132 = arith.cmpi slt, %max3A_23, %lt3A_131 : vector<16xi32>
      %add3A_133 = arith.constant 16 : i32
      %add3A_134 = vector.broadcast %add3A_133 : i32 to vector<16xi32>
      %add3A_135 = arith.addi %max3A_23, %add3A_134 : vector<16xi32>
      %select_n3A_136 = arith.select %lt3A_132, %add3A_135, %max3A_23 : vector<16xi1>, vector<16xi32>
      %broadcast_in_dim3A_137 = vector.shape_cast %select_n3A_136 : vector<16xi32> to vector<16x1xi32>
      %gather3A_138 = vector.shape_cast %broadcast_in_dim3A_137 : vector<16x1xi32> to vector<16xi32>
      %gather3A_139 = tpu.dynamic_gather %masked_sort3A_109[%gather3A_138] in [0] : vector<16xf32>, vector<16xi32> -> vector<16xf32>
      %jit3A_140 = arith.constant -2.000000e+00 : f32
      %broadcast_in_dim3A_141 = vector.broadcast %jit3A_140 : f32 to vector<16xf32>
      %select_n3A_142 = arith.select %eq3A_28, %broadcast_in_dim3A_141, %gather3A_139 : vector<16xi1>, vector<16xf32>
      %lt3A_143 = arith.constant 0 : i32
      %lt3A_144 = vector.broadcast %lt3A_143 : i32 to vector<16xi32>
      %lt3A_145 = arith.cmpi slt, %max3A_23, %lt3A_144 : vector<16xi32>
      %add3A_146 = arith.constant 16 : i32
      %add3A_147 = vector.broadcast %add3A_146 : i32 to vector<16xi32>
      %add3A_148 = arith.addi %max3A_23, %add3A_147 : vector<16xi32>
      %select_n3A_149 = arith.select %lt3A_145, %add3A_148, %max3A_23 : vector<16xi1>, vector<16xi32>
      %broadcast_in_dim3A_150 = vector.shape_cast %select_n3A_149 : vector<16xi32> to vector<16x1xi32>
      %gather3A_151 = vector.shape_cast %broadcast_in_dim3A_150 : vector<16x1xi32> to vector<16xi32>
      %gather3A_152 = tpu.dynamic_gather %masked_sort3A_110[%gather3A_151] in [0] : vector<16xi32>, vector<16xi32> -> vector<16xi32>
      %eq3A_153 = arith.cmpf oeq, %masked_sort3A_109, %select_n3A_119 : vector<16xf32>
      %min3A_154 = arith.minsi %masked_sort3A_110, %gather3A_129 : vector<16xi32>
      %select_n3A_155 = arith.select %eq3A_153, %min3A_154, %masked_sort3A_110 : vector<16xi1>, vector<16xi32>
      %eq3A_156 = arith.cmpf oeq, %masked_sort3A_109, %select_n3A_142 : vector<16xf32>
      %max3A_157 = arith.maxsi %select_n3A_155, %gather3A_152 : vector<16xi32>
      %select_n3A_158 = arith.select %eq3A_156, %max3A_157, %select_n3A_155 : vector<16xi1>, vector<16xi32>
      %mul3A_159 = arith.constant 2 : i32
      %mul3A_160 = arith.muli %scan3A_34, %mul3A_159 : i32
      %add3A_161 = arith.constant 1 : i32
      %add3A_162 = arith.addi %mul3A_160, %add3A_161 : i32
      %get3A_163 = arith.index_cast %add3A_162 : i32 to index
      %get3A_164 = arith.constant 0 : index
      %get3A_165 = tpu.vector_load %arg5[%get3A_163, %get3A_164] {strides = array<i32>} : memref<128x64xf32, #tpu.memory_space<vmem>>, vector<16xf32>,
      %masked_sort3A_166 = arith.constant dense<true> : vector<16xi1>
      %masked_sort3A_167, %masked_sort3A_168, %masked_sort3A_169 = tpu.sort %get3A_165, %add3A_5 masked %masked_sort3A_166 {descending = true} : (vector<16xf32>, vector<16xi32>, vector<16xi1>) -> (vector<16xi1>, vector<16xf32>, vector<16xi32>)
      %get3A_170 = arith.index_cast %add3A_162 : i32 to index
      %get3A_171 = arith.constant 16 : index
      %get3A_172 = tpu.vector_load %arg5[%get3A_170, %get3A_171] {strides = array<i32>} : memref<128x64xf32, #tpu.memory_space<vmem>>, vector<16xf32>,
      %masked_sort3A_173 = arith.constant dense<true> : vector<16xi1>
      %masked_sort3A_174, %masked_sort3A_175, %masked_sort3A_176 = tpu.sort %get3A_172, %add3A_8 masked %masked_sort3A_173 {descending = true} : (vector<16xf32>, vector<16xi32>, vector<16xi1>) -> (vector<16xi1>, vector<16xf32>, vector<16xi32>)
      %get3A_177 = arith.index_cast %add3A_162 : i32 to index
      %get3A_178 = arith.constant 32 : index
      %get3A_179 = tpu.vector_load %arg5[%get3A_177, %get3A_178] {strides = array<i32>} : memref<128x64xf32, #tpu.memory_space<vmem>>, vector<16xf32>,
      %masked_sort3A_180 = arith.constant dense<true> : vector<16xi1>
      %masked_sort3A_181, %masked_sort3A_182, %masked_sort3A_183 = tpu.sort %get3A_179, %add3A_11 masked %masked_sort3A_180 {descending = true} : (vector<16xf32>, vector<16xi32>, vector<16xi1>) -> (vector<16xi1>, vector<16xf32>, vector<16xi32>)
      %get3A_184 = arith.index_cast %add3A_162 : i32 to index
      %get3A_185 = arith.constant 48 : index
      %get3A_186 = tpu.vector_load %arg5[%get3A_184, %get3A_185] {strides = array<i32>} : memref<128x64xf32, #tpu.memory_space<vmem>>, vector<16xf32>,
      %masked_sort3A_187 = arith.constant dense<true> : vector<16xi1>
      %masked_sort3A_188, %masked_sort3A_189, %masked_sort3A_190 = tpu.sort %get3A_186, %add3A_14 masked %masked_sort3A_187 {descending = true} : (vector<16xf32>, vector<16xi32>, vector<16xi1>) -> (vector<16xi1>, vector<16xf32>, vector<16xi32>)
      %rev3A_191 = arith.constant 15 : i32
      %rev3A_192 = vector.broadcast %rev3A_191 : i32 to vector<16xi32>
      %rev3A_193 = tpu.iota {dimensions = array<i32: 0>} : vector<16xi32>
      %rev3A_194 = arith.subi %rev3A_192, %rev3A_193 : vector<16xi32>
      %rev3A_195 = tpu.dynamic_gather %masked_sort3A_175[%rev3A_194] in [0] : vector<16xf32>, vector<16xi32> -> vector<16xf32>
      %rev3A_196 = arith.constant 15 : i32
      %rev3A_197 = vector.broadcast %rev3A_196 : i32 to vector<16xi32>
      %rev3A_198 = tpu.iota {dimensions = array<i32: 0>} : vector<16xi32>
      %rev3A_199 = arith.subi %rev3A_197, %rev3A_198 : vector<16xi32>
      %rev3A_200 = tpu.dynamic_gather %masked_sort3A_176[%rev3A_199] in [0] : vector<16xi32>, vector<16xi32> -> vector<16xi32>
      %ge3A_201 = arith.cmpf oge, %masked_sort3A_168, %rev3A_195 : vector<16xf32>
      %select_n3A_202 = arith.select %ge3A_201, %masked_sort3A_168, %rev3A_195 : vector<16xi1>, vector<16xf32>
      %select_n3A_203 = arith.select %ge3A_201, %masked_sort3A_169, %rev3A_200 : vector<16xi1>, vector<16xi32>
      %masked_sort3A_204 = arith.constant dense<true> : vector<16xi1>
      %masked_sort3A_205, %masked_sort3A_206, %masked_sort3A_207 = tpu.sort %select_n3A_202, %select_n3A_203 masked %masked_sort3A_204 {descending = true} : (vector<16xf32>, vector<16xi32>, vector<16xi1>) -> (vector<16xi1>, vector<16xf32>, vector<16xi32>)
      %rev3A_208 = arith.constant 15 : i32
      %rev3A_209 = vector.broadcast %rev3A_208 : i32 to vector<16xi32>
      %rev3A_210 = tpu.iota {dimensions = array<i32: 0>} : vector<16xi32>
      %rev3A_211 = arith.subi %rev3A_209, %rev3A_210 : vector<16xi32>
      %rev3A_212 = tpu.dynamic_gather %masked_sort3A_189[%rev3A_211] in [0] : vector<16xf32>, vector<16xi32> -> vector<16xf32>
      %rev3A_213 = arith.constant 15 : i32
      %rev3A_214 = vector.broadcast %rev3A_213 : i32 to vector<16xi32>
      %rev3A_215 = tpu.iota {dimensions = array<i32: 0>} : vector<16xi32>
      %rev3A_216 = arith.subi %rev3A_214, %rev3A_215 : vector<16xi32>
      %rev3A_217 = tpu.dynamic_gather %masked_sort3A_190[%rev3A_216] in [0] : vector<16xi32>, vector<16xi32> -> vector<16xi32>
      %ge3A_218 = arith.cmpf oge, %masked_sort3A_182, %rev3A_212 : vector<16xf32>
      %select_n3A_219 = arith.select %ge3A_218, %masked_sort3A_182, %rev3A_212 : vector<16xi1>, vector<16xf32>
      %select_n3A_220 = arith.select %ge3A_218, %masked_sort3A_183, %rev3A_217 : vector<16xi1>, vector<16xi32>
      %masked_sort3A_221 = arith.constant dense<true> : vector<16xi1>
      %masked_sort3A_222, %masked_sort3A_223, %masked_sort3A_224 = tpu.sort %select_n3A_219, %select_n3A_220 masked %masked_sort3A_221 {descending = true} : (vector<16xf32>, vector<16xi32>, vector<16xi1>) -> (vector<16xi1>, vector<16xf32>, vector<16xi32>)
      %rev3A_225 = arith.constant 15 : i32
      %rev3A_226 = vector.broadcast %rev3A_225 : i32 to vector<16xi32>
      %rev3A_227 = tpu.iota {dimensions = array<i32: 0>} : vector<16xi32>
      %rev3A_228 = arith.subi %rev3A_226, %rev3A_227 : vector<16xi32>
      %rev3A_229 = tpu.dynamic_gather %masked_sort3A_223[%rev3A_228] in [0] : vector<16xf32>, vector<16xi32> -> vector<16xf32>
      %rev3A_230 = arith.constant 15 : i32
      %rev3A_231 = vector.broadcast %rev3A_230 : i32 to vector<16xi32>
      %rev3A_232 = tpu.iota {dimensions = array<i32: 0>} : vector<16xi32>
      %rev3A_233 = arith.subi %rev3A_231, %rev3A_232 : vector<16xi32>
      %rev3A_234 = tpu.dynamic_gather %masked_sort3A_224[%rev3A_233] in [0] : vector<16xi32>, vector<16xi32> -> vector<16xi32>
      %ge3A_235 = arith.cmpf oge, %masked_sort3A_206, %rev3A_229 : vector<16xf32>
      %select_n3A_236 = arith.select %ge3A_235, %masked_sort3A_206, %rev3A_229 : vector<16xi1>, vector<16xf32>
      %select_n3A_237 = arith.select %ge3A_235, %masked_sort3A_207, %rev3A_234 : vector<16xi1>, vector<16xi32>
      %masked_sort3A_238 = arith.constant dense<true> : vector<16xi1>
      %masked_sort3A_239, %masked_sort3A_240, %masked_sort3A_241 = tpu.sort %select_n3A_236, %select_n3A_237 masked %masked_sort3A_238 {descending = true} : (vector<16xf32>, vector<16xi32>, vector<16xi1>) -> (vector<16xi1>, vector<16xf32>, vector<16xi32>)
      %lt3A_242 = arith.constant 0 : i32
      %lt3A_243 = vector.broadcast %lt3A_242 : i32 to vector<16xi32>
      %lt3A_244 = arith.cmpi slt, %min3A_19, %lt3A_243 : vector<16xi32>
      %add3A_245 = arith.constant 16 : i32
      %add3A_246 = vector.broadcast %add3A_245 : i32 to vector<16xi32>
      %add3A_247 = arith.addi %min3A_19, %add3A_246 : vector<16xi32>
      %select_n3A_248 = arith.select %lt3A_244, %add3A_247, %min3A_19 : vector<16xi1>, vector<16xi32>
      %broadcast_in_dim3A_249 = vector.shape_cast %select_n3A_248 : vector<16xi32> to vector<16x1xi32>
      %gather3A_250 = vector.shape_cast %broadcast_in_dim3A_249 : vector<16x1xi32> to vector<16xi32>
      %gather3A_251 = tpu.dynamic_gather %masked_sort3A_240[%gather3A_250] in [0] : vector<16xf32>, vector<16xi32> -> vector<16xf32>
      %jit3A_252 = arith.constant -1.000000e+00 : f32
      %broadcast_in_dim3A_253 = vector.broadcast %jit3A_252 : f32 to vector<16xf32>
      %select_n3A_254 = arith.select %eq3A_25, %broadcast_in_dim3A_253, %gather3A_251 : vector<16xi1>, vector<16xf32>
      %lt3A_255 = arith.constant 0 : i32
      %lt3A_256 = vector.broadcast %lt3A_255 : i32 to vector<16xi32>
      %lt3A_257 = arith.cmpi slt, %min3A_19, %lt3A_256 : vector<16xi32>
      %add3A_258 = arith.constant 16 : i32
      %add3A_259 = vector.broadcast %add3A_258 : i32 to vector<16xi32>
      %add3A_260 = arith.addi %min3A_19, %add3A_259 : vector<16xi32>
      %select_n3A_261 = arith.select %lt3A_257, %add3A_260, %min3A_19 : vector<16xi1>, vector<16xi32>
      %broadcast_in_dim3A_262 = vector.shape_cast %select_n3A_261 : vector<16xi32> to vector<16x1xi32>
      %gather3A_263 = vector.shape_cast %broadcast_in_dim3A_262 : vector<16x1xi32> to vector<16xi32>
      %gather3A_264 = tpu.dynamic_gather %masked_sort3A_241[%gather3A_263] in [0] : vector<16xi32>, vector<16xi32> -> vector<16xi32>
      %lt3A_265 = arith.constant 0 : i32
      %lt3A_266 = vector.broadcast %lt3A_265 : i32 to vector<16xi32>
      %lt3A_267 = arith.cmpi slt, %max3A_23, %lt3A_266 : vector<16xi32>
      %add3A_268 = arith.constant 16 : i32
      %add3A_269 = vector.broadcast %add3A_268 : i32 to vector<16xi32>
      %add3A_270 = arith.addi %max3A_23, %add3A_269 : vector<16xi32>
      %select_n3A_271 = arith.select %lt3A_267, %add3A_270, %max3A_23 : vector<16xi1>, vector<16xi32>
      %broadcast_in_dim3A_272 = vector.shape_cast %select_n3A_271 : vector<16xi32> to vector<16x1xi32>
      %gather3A_273 = vector.shape_cast %broadcast_in_dim3A_272 : vector<16x1xi32> to vector<16xi32>
      %gather3A_274 = tpu.dynamic_gather %masked_sort3A_240[%gather3A_273] in [0] : vector<16xf32>, vector<16xi32> -> vector<16xf32>
      %jit3A_275 = arith.constant -2.000000e+00 : f32
      %broadcast_in_dim3A_276 = vector.broadcast %jit3A_275 : f32 to vector<16xf32>
      %select_n3A_277 = arith.select %eq3A_28, %broadcast_in_dim3A_276, %gather3A_274 : vector<16xi1>, vector<16xf32>
      %lt3A_278 = arith.constant 0 : i32
      %lt3A_279 = vector.broadcast %lt3A_278 : i32 to vector<16xi32>
      %lt3A_280 = arith.cmpi slt, %max3A_23, %lt3A_279 : vector<16xi32>
      %add3A_281 = arith.constant 16 : i32
      %add3A_282 = vector.broadcast %add3A_281 : i32 to vector<16xi32>
      %add3A_283 = arith.addi %max3A_23, %add3A_282 : vector<16xi32>
      %select_n3A_284 = arith.select %lt3A_280, %add3A_283, %max3A_23 : vector<16xi1>, vector<16xi32>
      %broadcast_in_dim3A_285 = vector.shape_cast %select_n3A_284 : vector<16xi32> to vector<16x1xi32>
      %gather3A_286 = vector.shape_cast %broadcast_in_dim3A_285 : vector<16x1xi32> to vector<16xi32>
      %gather3A_287 = tpu.dynamic_gather %masked_sort3A_241[%gather3A_286] in [0] : vector<16xi32>, vector<16xi32> -> vector<16xi32>
      %eq3A_288 = arith.cmpf oeq, %masked_sort3A_240, %select_n3A_254 : vector<16xf32>
      %min3A_289 = arith.minsi %masked_sort3A_241, %gather3A_264 : vector<16xi32>
      %select_n3A_290 = arith.select %eq3A_288, %min3A_289, %masked_sort3A_241 : vector<16xi1>, vector<16xi32>
      %eq3A_291 = arith.cmpf oeq, %masked_sort3A_240, %select_n3A_277 : vector<16xf32>
      %max3A_292 = arith.maxsi %select_n3A_290, %gather3A_287 : vector<16xi32>
      %select_n3A_293 = arith.select %eq3A_291, %max3A_292, %select_n3A_290 : vector<16xi1>, vector<16xi32>
      %mul3A_294 = arith.constant 2 : i32
      %mul3A_295 = arith.muli %scan3A_34, %mul3A_294 : i32
      %swap3A = arith.index_cast %mul3A_295 : i32 to index
      %swap3A_296 = arith.constant 0 : index
      %swap3A_297 = tpu.vector_load %arg6[%swap3A, %swap3A_296] {strides = array<i32>} : memref<128x16xf32, #tpu.memory_space<vmem>>, vector<16xf32>,
      tpu.vector_store %arg6[%swap3A, %swap3A_296], %masked_sort3A_109 {strides = array<i32>} : memref<128x16xf32, #tpu.memory_space<vmem>>, vector<16xf32>,
      %mul3A_298 = arith.constant 2 : i32
      %mul3A_299 = arith.muli %scan3A_34, %mul3A_298 : i32
      %swap3A_300 = arith.index_cast %mul3A_299 : i32 to index
      %swap3A_301 = arith.constant 0 : index
      %swap3A_302 = tpu.vector_load %arg7[%swap3A_300, %swap3A_301] {strides = array<i32>} : memref<128x16xi32, #tpu.memory_space<vmem>>, vector<16xi32>,
      tpu.vector_store %arg7[%swap3A_300, %swap3A_301], %select_n3A_158 {strides = array<i32>} : memref<128x16xi32, #tpu.memory_space<vmem>>, vector<16xi32>,
      %mul3A_303 = arith.constant 2 : i32
      %mul3A_304 = arith.muli %scan3A_34, %mul3A_303 : i32
      %add3A_305 = arith.constant 1 : i32
      %add3A_306 = arith.addi %mul3A_304, %add3A_305 : i32
      %swap3A_307 = arith.index_cast %add3A_306 : i32 to index
      %swap3A_308 = arith.constant 0 : index
      %swap3A_309 = tpu.vector_load %arg6[%swap3A_307, %swap3A_308] {strides = array<i32>} : memref<128x16xf32, #tpu.memory_space<vmem>>, vector<16xf32>,
      tpu.vector_store %arg6[%swap3A_307, %swap3A_308], %masked_sort3A_240 {strides = array<i32>} : memref<128x16xf32, #tpu.memory_space<vmem>>, vector<16xf32>,
      %mul3A_310 = arith.constant 2 : i32
      %mul3A_311 = arith.muli %scan3A_34, %mul3A_310 : i32
      %add3A_312 = arith.constant 1 : i32
      %add3A_313 = arith.addi %mul3A_311, %add3A_312 : i32
      %swap3A_314 = arith.index_cast %add3A_313 : i32 to index
      %swap3A_315 = arith.constant 0 : index
      %swap3A_316 = tpu.vector_load %arg7[%swap3A_314, %swap3A_315] {strides = array<i32>} : memref<128x16xi32, #tpu.memory_space<vmem>>, vector<16xi32>,
      tpu.vector_store %arg7[%swap3A_314, %swap3A_315], %select_n3A_293 {strides = array<i32>} : memref<128x16xi32, #tpu.memory_space<vmem>>, vector<16xi32>,
    }
    %scan3A_33 = arith.constant 64 : i32
    "tpu.region"() ({
      %run_scoped3A = tpu.sem_alloc : memref<!tpu.dma_semaphore, #tpu.memory_space<semaphore_mem>>
      %dma_start3A = arith.constant 0 : i32
      %dma_start3A_34 = tpu.memref_slice %arg3[%multiple_of3A, %dma_start3A] : memref<4096x16xf32, #tpu.memory_space<hbm>> -> memref<128x16xf32, #tpu.memory_space<hbm>>
      %dma_start3A_35 = arith.constant 0 : i32
      %dma_start3A_36 = tpu.memref_slice %arg3[%multiple_of3A, %dma_start3A_35] : memref<4096x16xf32, #tpu.memory_space<hbm>> -> memref<128x16xf32, #tpu.memory_space<hbm>>
      tpu.enqueue_dma source(%arg6 : memref<128x16xf32, #tpu.memory_space<vmem>>) target(%dma_start3A_36 : memref<128x16xf32, #tpu.memory_space<hbm>>) target_semaphore(%run_scoped3A : memref<!tpu.dma_semaphore, #tpu.memory_space<semaphore_mem>>)
      %dma_wait3A = arith.constant 0 : i32
      %dma_wait3A_37 = tpu.memref_slice %arg3[%multiple_of3A, %dma_wait3A] : memref<4096x16xf32, #tpu.memory_space<hbm>> -> memref<128x16xf32, #tpu.memory_space<hbm>>
      %dma_wait3A_38 = arith.constant 0 : i32
      %dma_wait3A_39 = tpu.memref_slice %arg3[%multiple_of3A, %dma_wait3A_38] : memref<4096x16xf32, #tpu.memory_space<hbm>> -> memref<128x16xf32, #tpu.memory_space<hbm>>
      tpu.wait_dma2 semaphore(%run_scoped3A : memref<!tpu.dma_semaphore, #tpu.memory_space<semaphore_mem>>) src(%arg6 : memref<128x16xf32, #tpu.memory_space<vmem>>) dst(%dma_wait3A_39 : memref<128x16xf32, #tpu.memory_space<hbm>>)
      tpu.yield
    }) : () -> ()
    "tpu.region"() ({
      %run_scoped3A = tpu.sem_alloc : memref<!tpu.dma_semaphore, #tpu.memory_space<semaphore_mem>>
      %dma_start3A = arith.constant 0 : i32
      %dma_start3A_34 = tpu.memref_slice %arg4[%multiple_of3A, %dma_start3A] : memref<4096x16xi32, #tpu.memory_space<hbm>> -> memref<128x16xi32, #tpu.memory_space<hbm>>
      %dma_start3A_35 = arith.constant 0 : i32
      %dma_start3A_36 = tpu.memref_slice %arg4[%multiple_of3A, %dma_start3A_35] : memref<4096x16xi32, #tpu.memory_space<hbm>> -> memref<128x16xi32, #tpu.memory_space<hbm>>
      tpu.enqueue_dma source(%arg7 : memref<128x16xi32, #tpu.memory_space<vmem>>) target(%dma_start3A_36 : memref<128x16xi32, #tpu.memory_space<hbm>>) target_semaphore(%run_scoped3A : memref<!tpu.dma_semaphore, #tpu.memory_space<semaphore_mem>>)
      %dma_wait3A = arith.constant 0 : i32
      %dma_wait3A_37 = tpu.memref_slice %arg4[%multiple_of3A, %dma_wait3A] : memref<4096x16xi32, #tpu.memory_space<hbm>> -> memref<128x16xi32, #tpu.memory_space<hbm>>
      %dma_wait3A_38 = arith.constant 0 : i32
      %dma_wait3A_39 = tpu.memref_slice %arg4[%multiple_of3A, %dma_wait3A_38] : memref<4096x16xi32, #tpu.memory_space<hbm>> -> memref<128x16xi32, #tpu.memory_space<hbm>>
      tpu.wait_dma2 semaphore(%run_scoped3A : memref<!tpu.dma_semaphore, #tpu.memory_space<semaphore_mem>>) src(%arg7 : memref<128x16xi32, #tpu.memory_space<vmem>>) dst(%dma_wait3A_39 : memref<128x16xi32, #tpu.memory_space<hbm>>)
      tpu.yield
    }) : () -> ()
    return
  }
}

module attributes {stable_mosaic.version = 14 : i64} {
  func.func @_probs_kernel(%arg0: i32, %arg1: memref<1024x64xf32, #tpu.memory_space<vmem>>, %arg2: memref<64x64xf32, #tpu.memory_space<vmem>>, %arg3: memref<1024x64xf32, #tpu.memory_space<vmem>>) attributes {dimension_semantics = [#tpu.dimension_semantics<arbitrary>], iteration_bounds = array<i64: 4>, scalar_prefetch = 0 : i64, scratch_operands = 0 : i64, tpu.core_type = #tpu.core_type<tc>, window_params = [{transform_indices = @transform_0, window_bounds = array<i64: 1024, 64>}, {pipeline_mode = #tpu.pipeline_mode<synchronous>, transform_indices = @transform_1, window_bounds = array<i64: 64, 64>}, {transform_indices = @transform_2, window_bounds = array<i64: 1024, 64>}]} {
    %get3A = arith.constant 0 : index
    %get3A_0 = arith.constant 0 : index
    %get3A_1 = vector.load %arg1[%get3A, %get3A_0] : memref<1024x64xf32, #tpu.memory_space<vmem>>, vector<1024x64xf32>
    %get3A_2 = arith.constant 0 : index
    %get3A_3 = arith.constant 0 : index
    %get3A_4 = vector.load %arg2[%get3A_2, %get3A_3] : memref<64x64xf32, #tpu.memory_space<vmem>>, vector<64x64xf32>
    %dot_general3A = arith.constant dense<0.000000e+00> : vector<1024x64xf32>
    %dot_general3A_5 = tpu.matmul %get3A_1, %get3A_4, %dot_general3A {dimension_numbers = #tpu.dot_dimension_numbers<[1], [1], [0], [0], [0, 0, 1, 0], [], []>, transpose_lhs_hint = false} : vector<1024x64xf32>, vector<64x64xf32>, vector<1024x64xf32> -> vector<1024x64xf32>
    %reduce_max3A = arith.constant dense<0xFF800000> : vector<1024xf32>
    %reduce_max3A_6 = vector.multi_reduction <maximumf>, %dot_general3A_5, %reduce_max3A [1] : vector<1024x64xf32> to vector<1024xf32>
    %broadcast_in_dim3A = vector.shape_cast %reduce_max3A_6 : vector<1024xf32> to vector<1024x1xf32>
    %sub3A = vector.broadcast %broadcast_in_dim3A : vector<1024x1xf32> to vector<1024x64xf32>
    %sub3A_7 = arith.subf %dot_general3A_5, %sub3A : vector<1024x64xf32>
    %exp3A = math.exp %sub3A_7 : vector<1024x64xf32>
    %reduce_sum3A = arith.constant dense<0.000000e+00> : vector<1024xf32>
    %reduce_sum3A_8 = vector.multi_reduction <add>, %exp3A, %reduce_sum3A [1] : vector<1024x64xf32> to vector<1024xf32>
    %broadcast_in_dim3A_9 = vector.shape_cast %reduce_sum3A_8 : vector<1024xf32> to vector<1024x1xf32>
    %div3A = vector.broadcast %broadcast_in_dim3A_9 : vector<1024x1xf32> to vector<1024x64xf32>
    %div3A_10 = arith.divf %exp3A, %div3A : vector<1024x64xf32>
    %swap3A = arith.constant 0 : index
    %swap3A_11 = arith.constant 0 : index
    %swap3A_12 = vector.load %arg3[%swap3A, %swap3A_11] : memref<1024x64xf32, #tpu.memory_space<vmem>>, vector<1024x64xf32>
    tpu.vector_store %arg3[%swap3A, %swap3A_11], %div3A_10 {strides = array<i32>} : memref<1024x64xf32, #tpu.memory_space<vmem>>, vector<1024x64xf32>,
    return
  }
  func.func @transform_0(%arg0: i32) -> (i32, i32) {
    %c0_i32 = arith.constant 0 : i32
    %c0_i32_0 = arith.constant 0 : i32
    return %arg0, %c0_i32 : i32, i32
  }
  func.func @transform_1(%arg0: i32) -> (i32, i32) {
    %c0_i32 = arith.constant 0 : i32
    %c0_i32_0 = arith.constant 0 : i32
    %c0_i32_1 = arith.constant 0 : i32
    return %c0_i32, %c0_i32_0 : i32, i32
  }
  func.func @transform_2(%arg0: i32) -> (i32, i32) {
    %c0_i32 = arith.constant 0 : i32
    %c0_i32_0 = arith.constant 0 : i32
    return %arg0, %c0_i32 : i32, i32
  }
}

</mosaic_0001>

<sc_bundles>
// kernel: kernel.6.cloned.1.call-start
scs
__scs_entry_jumppad:
0x0: {  	(pc) =	sbr.rel $0x88, $3  }
0x1: {  	(tag) =	ssettag $0x0;
	lr =	simm.s32 $0x1  }
0x2: {  	[smem:$0x3F9F] =	sst lr;
	_ =	strace $0xD0000000  }
0x3: {  	_ = 	snop  }
0x4: {  	_ = 	snop  }
0x5: {  	_ = 	snop  }
0x6: {  	_ = 	snop  }
0x7: {  	_ = 	snop  }
__scs_overlays_trampoline_lowered:
0x8: {  	[smem:$0x3FAE] =	sst s0  }
0x9: {  	[smem:$0x3FAF] =	sst s1  }
0xa: {  	[smem:$0x3FB0] =	sst s2  }
0xb: {  	[smem:$0x3FB1] =	sst s3  }
0xc: {  	[smem:$0x3FB2] =	sst s4  }
0xd: {  	[smem:$0x3FB3] =	sst s5  }
0xe: {  	[smem:$0x3FB4] =	sst s6  }
0xf: {  	[smem:$0x3FB5] =	sst s7  }
0x10: {  	[smem:$0x3FB6] =	sst s8  }
0x11: {  	[smem:$0x3FB7] =	sst s9;
	s0 =	simm.s32 @!p0 $0x0  }
0x12: {  	s1 =	sld [smem:$0x3F9D];
	s0 =	simm.s32 @p0 $0x1  }
0x13: {  	[smem:$0x3FB8] =	sst s0;
	s0 =	simm.s32 @!p1 $0x0  }
0x14: {  	s2 =	sld [smem:$0x3F9C];
	s0 =	simm.s32 @p1 $0x1  }
0x15: {  	[smem:$0x3FB9] =	sst s0;
	s0 =	simm.s32 @!p2 $0x0  }
0x16: {  	s3 =	sld [smem:$0x3FDB];
	s0 =	simm.s32 @p2 $0x1  }
0x17: {  	s4 =	simm.s32 $0x1BF5;
	[smem:$0x3FBB] =	sst s0  }
0x18: {  	s0 =	sld [smem:$0x3F9E];
	_ =	swait.ge [sflag:s4], $0x0  }
0x19: {  	s7 =	sld [smem:$0x3F9F]  }
0x1a: {  	s8 =	sadd.s32 $0xFFFFE003, lr  }
0x1b: {  	s9 =	sadd.s32 $0xFFFFFEF7, lr;
	s5 =	simm.s32 $0xFFFFFFFF;
	p2 =	slt.u32 s8, $0xFFFFF086  }
0x1c: {  	p1 =	slt.u32 s9, $0xF7A;
	s5 =	simm.s32 @!p2 $0x0  }
0x1d: {  	s5 =	simm.s32 @p1 $0x1;
	p0 =	seq.s32 s7, s2  }
0x1e: {  	s7 =	smul.u32 @!p0 $0xF7A, s2;
	p2 =	seq.s32 @!p0 s5, $0x0  }
0x1f: {  	s9 =	smul.u32 $0xF7A, s1;
	s8 =	simm.s32 @!p0 $0x1BF5;
	p2 =	por !p2, p0  }
0x20: {  	[sflag:s8] =	ssyncset.s32 @!p0 $0xFFFFF086;
	s6 =	sadd.s32 @!p0 s3, s7;
	s7 =	simm.s32 @!p0 $0x108  }
0x21: {  	s3 =	sadd.s32 s3, s9;
	s6 =	sadd.s32 @!p0 $0x88, s6;
	s7 =	simm.s32 @p2 $0x1082  }
0x22: {  	[simem:s7], [sflag:s8] =	dma.local @!p0 [hbm:s6], $0xF7A  }
0x23: {  	s9 =	sor.u32 $0xD0000000, s2;
	s6 =	simm.s32 $0x108;
	_ =	swait.ge @!p0 [sflag:s8], $0x0  }
0x24: {  	s3 =	sadd.s32 $0x88, s3;
	s6 =	simm.s32 @!p1 $0x1082;
	[sflag:s4] =	ssyncset.s32 $0xFFFFF086  }
0x25: {  	[simem:s6], [sflag:s4] =	dma.local [hbm:s3], $0xF7A  }
0x26: {  	[smem:$0x3F9F] =	sst s1;
	(tag) =	ssettag s2;
	_ =	strace s9  }
0x27: {  	s1 =	sld [smem:$0x3FAF]  }
0x28: {  	s2 =	sld [smem:$0x3FB0]  }
0x29: {  	s4 =	sld [smem:$0x3FB2]  }
0x2a: {  	p0 =	seq.s32 s5, $0x0;
	s5 =	sld [smem:$0x3FB3]  }
0x2b: {  	s6 =	sld [smem:$0x3FB4]  }
0x2c: {  	s7 =	sld [smem:$0x3FB5]  }
0x2d: {  	s3 =	simm.s32 $0x108;
	s8 =	sld [smem:$0x3FB6]  }
0x2e: {  	s3 =	simm.s32 @!p0 $0x1082;
	s9 =	sld [smem:$0x3FB7]  }
0x2f: {  	lr =	sadd.s32 s0, s3;
	s0 =	sld [smem:$0x3FAE]  }
0x30: {  	s3 =	sld [smem:$0x3FB1]  }
0x31: {  	[smem:$0x3FBA] =	sst s10  }
0x32: {  	s10 =	sld [smem:$0x3FB8];
	_ =	sdelay $0x3  }
0x33: {  	p0 =	seq.s32 s10, $0x1;
	s10 =	sld [smem:$0x3FBA];
	_ =	sdelay $0x3  }
0x34: {  	[smem:$0x3FBA] =	sst s10  }
0x35: {  	s10 =	sld [smem:$0x3FB9];
	_ =	sdelay $0x3  }
0x36: {  	p1 =	seq.s32 s10, $0x1;
	s10 =	sld [smem:$0x3FBA];
	_ =	sdelay $0x3  }
0x37: {  	[smem:$0x3FBA] =	sst s10  }
0x38: {  	s10 =	sld [smem:$0x3FBB]  }
0x39: {  	_ = 	snop;
	(pc) =	sbr.ind lr, $3  }
0x3a: {  	_ = 	snop  }
0x3b: {  	_ = 	snop  }
0x3c: {  	p2 =	seq.s32 s10, $0x1;
	s10 =	sld [smem:$0x3FBA]  }
0x3d: {  	_ =	shalt  }
0x3e: {  	_ =	shalt  }
0x3f: {  	_ =	shalt  }
0x40: {  	_ =	shalt  }
0x41: {  	_ =	shalt  }
0x42: {  	_ =	shalt  }
0x43: {  	_ =	shalt  }
0x44: {  	_ =	shalt  }
0x45: {  	_ =	shalt  }
0x46: {  	_ =	shalt  }
0x47: {  	_ =	shalt  }
0x48: {  	_ =	shalt  }
0x49: {  	_ =	shalt  }
0x4a: {  	_ =	shalt  }
0x4b: {  	_ =	shalt  }
0x4c: {  	_ =	shalt  }
0x4d: {  	_ =	shalt  }
0x4e: {  	_ =	shalt  }
0x4f: {  	_ =	shalt  }
0x50: {  	_ =	shalt  }
0x51: {  	_ =	shalt  }
0x52: {  	_ =	shalt  }
0x53: {  	_ =	shalt  }
0x54: {  	_ =	shalt  }
0x55: {  	_ =	shalt  }
0x56: {  	_ =	shalt  }
0x57: {  	_ =	shalt  }
0x58: {  	_ =	shalt  }
0x59: {  	_ =	shalt  }
0x5a: {  	_ =	shalt  }
0x5b: {  	_ =	shalt  }
0x5c: {  	_ =	shalt  }
0x5d: {  	_ =	shalt  }
0x5e: {  	_ =	shalt  }
0x5f: {  	_ =	shalt  }
0x60: {  	_ =	shalt  }
0x61: {  	_ =	shalt  }
0x62: {  	_ =	shalt  }
0x63: {  	_ =	shalt  }
0x64: {  	_ =	shalt  }
0x65: {  	_ =	shalt  }
0x66: {  	_ =	shalt  }
0x67: {  	_ =	shalt  }
0x68: {  	_ =	shalt  }
0x69: {  	_ =	shalt  }
0x6a: {  	_ =	shalt  }
0x6b: {  	_ =	shalt  }
0x6c: {  	_ =	shalt  }
0x6d: {  	_ =	shalt  }
0x6e: {  	_ =	shalt  }
0x6f: {  	_ =	shalt  }
0x70: {  	_ =	shalt  }
0x71: {  	_ =	shalt  }
0x72: {  	_ =	shalt  }
0x73: {  	_ =	shalt  }
0x74: {  	_ =	shalt  }
0x75: {  	_ =	shalt  }
0x76: {  	_ =	shalt  }
0x77: {  	_ =	shalt  }
0x78: {  	_ =	shalt  }
0x79: {  	_ =	shalt  }
0x7a: {  	_ =	shalt  }
0x7b: {  	_ =	shalt  }
0x7c: {  	_ =	shalt  }
0x7d: {  	_ =	shalt  }
0x7e: {  	_ =	shalt  }
0x7f: {  	_ =	shalt  }
0x80: {  	_ =	shalt  }
0x81: {  	_ =	shalt  }
0x82: {  	_ =	shalt  }
0x83: {  	_ =	shalt  }
0x84: {  	_ =	shalt  }
0x85: {  	_ =	shalt  }
0x86: {  	_ =	shalt  }
0x87: {  	_ =	shalt  }
.Lfunc_end0:
.L_simem_size_0:
called_computation_lowered:
.L_overlay_start_0:
0x88: {  	s2 =	sld [smem:$0x3FD9]  }
0x89: {  	s3 =	sld [smem:$0x3FFE];
	_ =	sdelay $0x1  }
0x8a: {  	s1 =	srdreg.scid  }
0x8b: {  	s0 =	sand.u32 $0x1, s1  }
0x8c: {  	s17 =	sshll.u32 s0, $0xA;
	s2 =	sadd.s32 s3, s2  }
0x8d: {  	s2 =	sadd.s32 s2, s17  }
0x8e: {  	[smem:$0x3FC6] =	sst s2  }
0x8f: {  	_ = 	snop  }
0x90: {  	(tm) =	ssettm $0x1  }
0x91: {  	s18 =	sld [smem:$0x3FFB];
	_ =	sdelay $0x3  }
0x92: {  	_ =	strace s18  }
0x93: {  	s2 =	sld [smem:$0x3FFC];
	_ =	sdelay $0x3  }
0x94: {  	_ =	strace s2  }
0x95: {  	s2 =	sld [smem:$0x3FFD];
	_ =	sdelay $0x3  }
0x96: {  	_ =	strace s2  }
0x97: {  	_ =	strace $0x8FFFFFFF  }
0x98: {  	s19 =	sld [smem:$0x3FDB];
	_ =	sdelay $0x1  }
0x99: {  	s20 =	simm.s32 $_scs_section_size  }
0x9a: {  	s4 =	simm.s32 $_size__tile_overlayer_lowered;
	s5 =	simm.s32 $_tile_overlayer_lowered  }
0x9b: {  	s6 =	simm.s32 $0x1BFF;
	s21 =	sshll.u32 s5, $0x1;
	s3 =	sadd.s32 s20, s19  }
0x9c: {  	s22 =	simm.s32 $0x0;
	s4 =	sshll.u32 s4, $0x1;
	s5 =	sadd.s32 s21, s3  }
0x9d: {  	[timem:s22], [sflag:s6] =	dma.local [hbm:s5], s4  }
0x9e: {  	_ =	swait.ge [sflag:s6], s4  }
0x9f: {  	s4 =	ssub.s32 $0x0, s4;
	[sflag:s6] =	ssyncset.done $0x0  }
0xa0: {  	[sflag:s6] =	ssyncadd.s32 s4;
	_ =	sdelay $0x1  }
0xa1: {  	s23 =	simm.s32 $0x1B8B  }
0xa2: {  	_ =	swait.ge [sflag:s23], $0x1  }
0xa3: {  	[sflag:s23] =	ssyncset.done $0x0  }
0xa4: {  	[sflag:s23] =	ssyncadd.s32 $0xFFFFFFFF  }
0xa5: {  	s4 =	sld [smem:$0x0]  }
0xa6: {  	s5 =	sand.u32 $0xFFFFFFFE, s1  }
0xa7: {  	p0 =	sne.s32 s1, s5  }
0xa8: {  	s5 =	sshll.u32 @p0 s5, $0xE  }
0xa9: {  	s5 =	sadd.s32 @p0 $0x11B8D, s5;
	s6 =	sshll.u32 @p0 s4, $0x11  }
0xaa: {  	s5 =	sor.u32 @p0 s6, s5  }
0xab: {  	[sflag:s5] =	ssyncadd.remote.s32 @p0 $0x1;
	_ =	sdelay $0x1  }
0xac: {  	s5 =	simm.s32 @p0 $0x1B8D  }
0xad: {  	_ =	swait.eq @p0 [sflag:s5], $0x1  }
0xae: {  	[sflag:s5] =	ssyncadd.s32 @p0 $0xFFFFFFFF  }
0xaf: {  	s6 =	sshll.u32 @!p0 s1, $0xE  }
0xb0: {  	s6 =	sor.u32 @!p0 $0x4000, s6;
	s5 =	simm.s32 @!p0 $0x1B8D  }
0xb1: {  	s4 =	sshll.u32 @!p0 s4, $0x11;
	s6 =	sadd.s32 @!p0 $0x11B8D, s6;
	_ =	swait.eq @!p0 [sflag:s5], $0x1  }
0xb2: {  	s4 =	sor.u32 @!p0 s4, s6;
	[sflag:s5] =	ssyncadd.s32 @!p0 $0xFFFFFFFF  }
0xb3: {  	s25 =	simm.s32 $0x1B8E;
	s24 =	sld [smem:$0x3FFE];
	[sflag:s4] =	ssyncadd.remote.s32 @!p0 $0x1  }
0xb4: {  	s26 =	simm.s32 $execute0_lowered;
	[smem:$0x3FD2] =	sst s25  }
0xb5: {  	s5 =	sshll.u32 s26, $0x1;
	_ =	strace $0x80000049;
	[dreg:$0x1] =	wrdreg $0xFFFFFFFF  }
0xb6: {  	s28 =	simm.s32 $_size_execute0_lowered;
	s3 =	sadd.s32 s3, s5;
	[dreg:$0x0] =	wrdreg $0x0  }
0xb7: {  	s5 =	sshll.u32 s28, $0x1;
	[dreg:$0x2] =	wrdreg s3  }
0xb8: {  	[dreg:$0x3] =	wrdreg s5  }
0xb9: {  	[dreg:$0x4] =	wrdreg $0xC0  }
0xba: {  	_ =	task [dreg:s22], $0x5FFFF  }
0xbb: {  	[dreg:$0x1] =	wrdreg $0xFFFFFFFF  }
0xbc: {  	[dreg:$0x0] =	wrdreg $0x60  }
0xbd: {  	[dreg:$0x2] =	wrdreg s24  }
0xbe: {  	[dreg:$0x3] =	wrdreg $0x9  }
0xbf: {  	_ =	task.clear_ibuf [dreg:s22], $0x4FFFF;
	_ =	strace $0x90000049  }
0xc0: {  	s29 =	simm.s32 $0x9;
	_ =	strace $0x8000004B  }
0xc1: {  	_ =	swait.ge [sflag:s29], $0x1  }
0xc2: {  	[sflag:s29] =	ssyncadd.s32 $0xFFFFFFFF  }
0xc3: {  	_ =	strace $0x9000004B  }
0xc4: {  	_ =	sfence  }
0xc5: {  	s30 =	sld [smem:$0x0];
	_ =	sdelay $0x2  }
0xc6: {  	s31 =	sshll.u32 s1, $0xD;
	s1 =	sshrl.u32 s1, $0x2  }
0xc7: {  	s4 =	sand.u32 $0x4000, s31;
	s1 =	sadd.s32 s1, s30  }
0xc8: {  	s0 =	sor.u32 s4, s0;
	s1 =	sshll.u32 s1, $0x11  }
0xc9: {  	s0 =	sor.u32 s1, s0  }
0xca: {  	s0 =	sadd.s32 $0x8F2B, s0  }
0xcb: {  	[sflag:s0] =	ssyncadd.remote.s32 $0x1  }
0xcc: {  	_ =	sfence.sel $0xFFFF  }
0xcd: {  	[dreg:$0x0] =	wrdreg $0xFFFFFFFF;
	(pc) =	sbr.abs _section_cstart, $3  }
0xce: {  	[dreg:$0x1] =	wrdreg $0xFFFFFFFF  }
0xcf: {  	_ =	task.clear_ibuf [dreg:s22], $0x2FFFF;
	_ =	strace $0x9FFFFFFF  }
0xd0: {  	(tm) =	ssettm $0x7FFFFFFF  }
0xd1: {  	_ =	shalt  }
tec
execute0_lowered:
.L_overlay_start_1:
0x0: {  	(tag) =	ssettag $0x1  }
0x1: {  	s3 =	rddreg [dreg:$0x0];
	s2 =	srdreg.scid;
	v0 =	vimm.s32 $0xFFEDCBA9;
	v1 =	vimm.s32 $0x87654321  }
0x2: {  	s0 =	rddreg [dreg:$0x1];
	s1 =	stileid.u32;
	v3 =	vimm.s32 $0xEDCBA987;
	s7 =	simm.s32 $0x1;
	v2 =	vunpack.c.l.s4.s8 v0;
	v1 =	vunpack.c.l.s4.s8 v1  }
0x3: {  	v4 =	vimm.s32 $0x65432100;
	s8 =	simm.s32 $0x4000;
	s9 =	simm.s32 $0x8000;
	s4 =	sand.u32 $0x1, s2;
	v0 =	vlaneseq.u32;
	v3 =	vunpack.c.l.s4.s8 v3  }
0x4: {  	s10 =	simm.s32 $0x0;
	s5 =	sshll.u32 s1, $0xC;
	v4 =	vunpack.c.l.s4.s8 v4;
	s6 =	sshll.u32 s4, $0xB;
	v2 =	vunpack.c.0.s8.s32 v2;
	v5 =	vunpack.c.0.s8.s32 v1  }
0x5: {  	s2 =	simm.s32 $0x0;
	s4 =	ssub.s32 $0x2, s4;
	v7 =	vmul.u32 $0xFFFFFFFF, v0;
	s5 =	sor.u32 s6, s5;
	v6 =	vunpack.c.0.s8.s32 v3  }
0x6: {  	[smem:$0x7FF] =	sst s2;
	s30 =	sshrl.u32 s4, $0x1;
	v1 =	vor.u32 $0x10, v0;
	v8 =	vunpack.c.0.s8.s32 v4;
	s5 =	sadd.s32 s5, s3;
	v5 =	vcombine.low v5, v2  }
0x7: {  	_ =	strace $0x8000004A;
	v3 =	vor.u32 $0x30, v0;
	s31 =	ssub.s32 s4, s30;
	v4 =	vadd.s32 $0xF, v7;
	s3 =	sadd.s32 $0x31C00, s5;
	v6 =	vand.u32 $0xF, v6  }
0x8: {  	s4 =	sadd.s32 $0x41C00, s5;
	s5 =	sadd.s32 $0x51C00, s5;
	s6 =	smax.u32 s31, $0x1;
	v2 =	vor.u32 $0x20, v0;
	v6 =	vcombine.low v8, v6;
	v5 =	vand.u32 $0xF, v5  }
.LBB2_1:
0x9: {  	[tilespmem:s2], [sflag:$0x1] =	stream.linear.gather [hbm4b:s3+s2], $0x4000, $0x38;
	[tilespmem:$0xC000] =	vst v63  }
0xa: {  	_ =	swait.ge [sflag:s7], $0x4000  }
0xb: {  	[sflag:s7] =	ssyncset.done $0x0  }
0xc: {  	s11 =	simm.s32 $0x0;
	[sflag:s7] =	ssyncadd.s32 $0xFFFFC000  }
0xd: {  	v7 =	vld [tilespmem:s11+$0xB0]  }
0xe: {  	v8 =	vld [tilespmem:s11+$0x90]  }
0xf: {  	v9 =	vld [tilespmem:s11+$0xA0]  }
0x10: {  	v10 =	vld [tilespmem:s11+$0x30]  }
0x11: {  	v11 =	vld [tilespmem:s11+$0x80]  }
0x12: {  	(xrf1) =	vsort.dscd.msk.f32 $0xffff, v7, v3  }
0x13: {  	(xrf1) =	vsort.dscd.msk.f32 $0xffff, v8, v1  }
0x14: {  	(xrf1) =	vsort.dscd.msk.f32 $0xffff, v9, v2  }
0x15: {  	(xrf1) =	vsort.dscd.msk.f32 $0xffff, v10, v3  }
0x16: {  	(xrf1) =	vsort.dscd.msk.f32 $0xffff, v11, v0;
	_ =	sdelay $0x5  }
0x17: {  	v7 =	vld [tilespmem:s11+$0x10]  }
0x18: {  	v8 =	vld [tilespmem:s11+$0x20]  }
0x19: {  	v9 =	vld [tilespmem:s11+$0x0];
	_ =	sdelay $0x1  }
0x1a: {  	v10, v11, _ =	vpop (xrf1)  }
0x1b: {  	(xrf1) =	vsort.dscd.msk.f32 $0xffff, v7, v1;
	v7 =	vperm.xlane v10, v4;
	v10, v12, _ =	vpop (xrf1)  }
0x1c: {  	(xrf1) =	vsort.dscd.msk.f32 $0xffff, v8, v2;
	v8 =	vperm.xlane v11, v4;
	v11, v13, _ =	vpop (xrf1)  }
0x1d: {  	(xrf1) =	vsort.dscd.msk.f32 $0xffff, v9, v0;
	v9 =	vperm.xlane v10, v4;
	vm0 =	vge.f32 v11, v7;
	v10, v14, _ =	vpop (xrf1)  }
0x1e: {  	v12 =	vperm.xlane v12, v4;
	v7 =	vsel vm0, v11, v7;
	v8 =	vsel vm0, v13, v8;
	v11, v13, _ =	vpop (xrf1)  }
0x1f: {  	s12 =	simm.s32 $0x100;
	vm0 =	vge.f32 v11, v9;
	(xrf1) =	vsort.dscd.msk.f32 $0xffff, v7, v8  }
0x20: {  	v15 =	vld [tilespmem:s12+$0xB0];
	v8 =	vsel vm0, v11, v9;
	v9 =	vsel vm0, v13, v12  }
0x21: {  	v16 =	vld [tilespmem:s12+$0x90];
	(xrf1) =	vsort.dscd.msk.f32 $0xffff, v8, v9  }
0x22: {  	v7 =	vld [tilespmem:s12+$0xA0]  }
0x23: {  	v11 =	vld [tilespmem:s12+$0x30]  }
0x24: {  	v8 =	vld [tilespmem:s12+$0x80]  }
0x25: {  	(xrf1) =	vsort.dscd.msk.f32 $0xffff, v15, v3  }
0x26: {  	(xrf1) =	vsort.dscd.msk.f32 $0xffff, v16, v1  }
0x27: {  	(xrf1) =	vsort.dscd.msk.f32 $0xffff, v7, v2  }
0x28: {  	v7 =	vld [tilespmem:s12+$0x10];
	(xrf1) =	vsort.dscd.msk.f32 $0xffff, v11, v3  }
0x29: {  	(xrf1) =	vsort.dscd.msk.f32 $0xffff, v8, v0;
	v8 =	vld [tilespmem:s12+$0x20]  }
0x2a: {  	v12 =	vld [tilespmem:s12+$0x0];
	v9 =	vperm.xlane v10, v4;
	v10, v11, _ =	vpop (xrf1)  }
0x2b: {  	v13 =	vperm.xlane v14, v4;
	v14, v15, _ =	vpop (xrf1)  }
0x2c: {  	v10 =	vperm.xlane v10, v4;
	v11 =	vperm.xlane v11, v4;
	vm0 =	vge.f32 v14, v9;
	v16, v17, _ =	vpop (xrf1)  }
0x2d: {  	(xrf1) =	vsort.dscd.msk.f32 $0xffff, v7, v1;
	v9 =	vsel vm0, v14, v9;
	v13 =	vsel vm0, v15, v13;
	v7, v14, _ =	vpop (xrf1)  }
0x2e: {  	vm0 =	vge.f32 v16, v10;
	(xrf1) =	vsort.dscd.msk.f32 $0xffff, v8, v2;
	v7 =	vperm.xlane v7, v4  }
0x2f: {  	v8 =	vsel vm0, v16, v10;
	(xrf1) =	vsort.dscd.msk.f32 $0xffff, v12, v0;
	v10 =	vperm.xlane v14, v4;
	v12, v14, _ =	vpop (xrf1)  }
0x30: {  	v11 =	vsel vm0, v17, v11;
	vm0 =	vge.f32 v12, v7  }
0x31: {  	v10 =	vsel vm0, v14, v10  }
0x32: {  	(xrf1) =	vsort.dscd.msk.f32 $0xffff, v9, v13  }
0x33: {  	(xrf1) =	vsort.dscd.msk.f32 $0xffff, v8, v11;
	v8, v9, _ =	vpop (xrf1);
	v7 =	vsel vm0, v12, v7  }
0x34: {  	v8 =	vperm.xlane v8, v4;
	v11, v12, _ =	vpop (xrf1);
	(xrf1) =	vsort.dscd.msk.f32 $0xffff, v7, v10  }
0x35: {  	v7 =	vperm.xlane v9, v4;
	v9, v10, _ =	vpop (xrf1)  }
0x36: {  	s13 =	simm.s32 $0x200;
	v11 =	vperm.xlane v11, v4;
	vm0 =	vge.f32 v9, v8;
	v13, v14, _ =	vpop (xrf1)  }
0x37: {  	v15 =	vld [tilespmem:s13+$0xB0];
	v12 =	vperm.xlane v12, v4;
	v8 =	vsel vm0, v9, v8;
	v7 =	vsel vm0, v10, v7;
	v9, v10, _ =	vpop (xrf1)  }
0x38: {  	v16 =	vld [tilespmem:s13+$0x90];
	vm0 =	vge.f32 v9, v11;
	(xrf1) =	vsort.dscd.msk.f32 $0xffff, v8, v7  }
0x39: {  	v7 =	vld [tilespmem:s13+$0xA0];
	v8 =	vsel vm0, v9, v11;
	v9 =	vsel vm0, v10, v12  }
0x3a: {  	v10 =	vld [tilespmem:s13+$0x30];
	(xrf1) =	vsort.dscd.msk.f32 $0xffff, v8, v9  }
0x3b: {  	v8 =	vld [tilespmem:s13+$0x80]  }
0x3c: {  	v14 =	vperm.xlane v14, v4;
	v11 =	vperm.xlane v13, v4;
	v12, v13, _ =	vpop (xrf1);
	v9 =	vld [tilespmem:s13+$0x10];
	(xrf1) =	vsort.dscd.msk.f32 $0xffff, v15, v3  }
0x3d: {  	v13 =	vperm.xlane v13, v4;
	v15 =	vld [tilespmem:s13+$0x20];
	(xrf1) =	vsort.dscd.msk.f32 $0xffff, v16, v1  }
0x3e: {  	v12 =	vperm.xlane v12, v4;
	v16, v17, _ =	vpop (xrf1);
	(xrf1) =	vsort.dscd.msk.f32 $0xffff, v7, v2  }
0x3f: {  	v18 =	vld [tilespmem:s13+$0x0];
	vm0 =	vge.f32 v16, v11;
	v7, v19, _ =	vpop (xrf1);
	(xrf1) =	vsort.dscd.msk.f32 $0xffff, v10, v3  }
0x40: {  	v10 =	vsel vm0, v16, v11;
	v11 =	vsel vm0, v17, v14;
	v14, v16, _ =	vpop (xrf1);
	(xrf1) =	vsort.dscd.msk.f32 $0xffff, v8, v0  }
0x41: {  	vm0 =	vge.f32 v7, v12;
	v8 =	vperm.xlane v14, v4;
	v14, v17, _ =	vpop (xrf1);
	(xrf1) =	vsort.dscd.msk.f32 $0xffff, v9, v1  }
0x42: {  	v7 =	vsel vm0, v7, v12;
	v9 =	vsel vm0, v19, v13;
	v12, v13, _ =	vpop (xrf1);
	(xrf1) =	vsort.dscd.msk.f32 $0xffff, v15, v2  }
0x43: {  	v15 =	vperm.xlane v16, v4;
	v16 =	vperm.xlane v12, v5;
	vm0 =	vge.f32 v14, v8  }
0x44: {  	(xrf1) =	vsort.dscd.msk.f32 $0xffff, v18, v0;
	v18 =	vperm.xlane v13, v5;
	v8 =	vsel vm0, v14, v8  }
0x45: {  	vm1 =	veq.s32 v0, $0xF;
	(xrf1) =	vsort.dscd.msk.f32 $0xffff, v10, v11;
	v10 =	vsel vm0, v17, v15;
	v15 =	vperm.xlane v13, v6  }
0x46: {  	(xrf1) =	vsort.dscd.msk.f32 $0xffff, v7, v9;
	v7 =	vsel vm1, $0xBF800000, v16;
	v9 =	vperm.xlane v12, v6;
	vm0 =	vlt.s32 v13, v18;
	v11, v14, _ =	vpop (xrf1)  }
0x47: {  	vm2 =	veq.f32 v12, v7;
	v7 =	vsel vm0, v13, v18;
	v11 =	vperm.xlane v11, v4  }
0x48: {  	vm0 =	veq.s32 v0, $0x0;
	v7 =	vsel vm2, v7, v13;
	(xrf1) =	vsort.dscd.msk.f32 $0xffff, v8, v10;
	v10, v13, _ =	vpop (xrf1)  }
0x49: {  	v9 =	vsel vm0, $0xC0000000, v9;
	vm2 =	vgt.s32 v7, v15;
	vm3 =	vge.f32 v10, v11  }
0x4a: {  	v10 =	vsel vm3, v10, v11;
	v11 =	vsel vm2, v7, v15  }
0x4b: {  	v8 =	vperm.xlane v14, v4  }
0x4c: {  	vm4 =	veq.f32 v12, v9;
	v9, v14, _ =	vpop (xrf1)  }
0x4d: {  	v8 =	vsel vm3, v13, v8;
	v9 =	vperm.xlane v9, v4;
	v13, v15, _ =	vpop (xrf1)  }
0x4e: {  	[tilespmem:s11+$0x4080] =	vst v12;
	(xrf1) =	vsort.dscd.msk.f32 $0xffff, v10, v8;
	v7 =	vsel vm4, v11, v7;
	v8 =	vperm.xlane v14, v4;
	v10, v11, _ =	vpop (xrf1)  }
0x4f: {  	[tilespmem:s11+$0x8080] =	vst v7;
	v7 =	vperm.xlane v13, v4;
	vm2 =	vge.f32 v10, v9;
	v12, v13, _ =	vpop (xrf1)  }
0x50: {  	v15 =	vperm.xlane v15, v4;
	v9 =	vsel vm2, v10, v9;
	v8 =	vsel vm2, v11, v8;
	v10, v11, _ =	vpop (xrf1)  }
0x51: {  	vm2 =	vge.f32 v10, v7  }
0x52: {  	s14 =	simm.s32 $0x300;
	v7 =	vsel vm2, v10, v7;
	v10 =	vsel vm2, v11, v15  }
0x53: {  	v14 =	vld [tilespmem:s14+$0xB0]  }
0x54: {  	v16 =	vld [tilespmem:s14+$0x90];
	(xrf1) =	vsort.dscd.msk.f32 $0xffff, v9, v8;
	v8 =	vperm.xlane v12, v4;
	v9, v12, _ =	vpop (xrf1)  }
0x55: {  	v17 =	vld [tilespmem:s14+$0xA0];
	v11 =	vperm.xlane v13, v4;
	v13, v15, _ =	vpop (xrf1)  }
0x56: {  	v18 =	vld [tilespmem:s14+$0x30];
	(xrf1) =	vsort.dscd.msk.f32 $0xffff, v7, v10;
	v7 =	vperm.xlane v9, v4;
	vm2 =	vge.f32 v13, v8;
	v9, v10, _ =	vpop (xrf1)  }
0x57: {  	v19 =	vld [tilespmem:s14+$0x80];
	v12 =	vperm.xlane v12, v4;
	v8 =	vsel vm2, v13, v8;
	v11 =	vsel vm2, v15, v11;
	v13, v15, _ =	vpop (xrf1)  }
0x58: {  	v20 =	vld [tilespmem:s14+$0x10];
	(xrf1) =	vsort.dscd.msk.f32 $0xffff, v14, v3;
	vm2 =	vge.f32 v9, v7;
	v13 =	vperm.xlane v13, v4  }
0x59: {  	v14 =	vld [tilespmem:s14+$0x20];
	(xrf1) =	vsort.dscd.msk.f32 $0xffff, v16, v1;
	v16, v21, _ =	vpop (xrf1);
	v7 =	vsel vm2, v9, v7;
	v9 =	vsel vm2, v10, v12  }
0x5a: {  	v10 =	vld [tilespmem:s14+$0x0];
	v12 =	vperm.xlane v15, v4;
	(xrf1) =	vsort.dscd.msk.f32 $0xffff, v17, v2;
	v15, v17, _ =	vpop (xrf1);
	vm2 =	vge.f32 v16, v13  }
0x5b: {  	(xrf1) =	vsort.dscd.msk.f32 $0xffff, v18, v3;
	v13 =	vsel vm2, v16, v13;
	v16 =	vperm.xlane v15, v5  }
0x5c: {  	v18 =	vperm.xlane v17, v5;
	(xrf1) =	vsort.dscd.msk.f32 $0xffff, v19, v0  }
0x5d: {  	v12 =	vsel vm2, v21, v12;
	(xrf1) =	vsort.dscd.msk.f32 $0xffff, v20, v1;
	v16 =	vsel vm1, $0xBF800000, v16  }
0x5e: {  	vm2 =	vlt.s32 v17, v18;
	(xrf1) =	vsort.dscd.msk.f32 $0xffff, v14, v2;
	v14, v63, _ =	vpop (xrf1);
	vm3 =	veq.f32 v15, v16  }
0x5f: {  	(xrf1) =	vsort.dscd.msk.f32 $0xffff, v10, v0;
	v10 =	vperm.xlane v14, v5;
	v16 =	vperm.xlane v63, v5  }
0x60: {  	(xrf1) =	vsort.dscd.msk.f32 $0xffff, v8, v11;
	v8 =	vsel vm2, v17, v18  }
0x61: {  	v18 =	vperm.xlane v63, v6;
	(xrf1) =	vsort.dscd.msk.f32 $0xffff, v7, v9;
	v7 =	vsel vm1, $0xBF800000, v10;
	vm4 =	vlt.s32 v63, v16  }
0x62: {  	v9 =	vperm.xlane v14, v6;
	vm5 =	veq.f32 v14, v7;
	v7 =	vsel vm4, v63, v16  }
0x63: {  	v62 =	vperm.xlane v17, v6;
	v19 =	vperm.xlane v15, v6;
	v10, v11, _ =	vpop (xrf1);
	v7 =	vsel vm5, v7, v63  }
0x64: {  	v9 =	vsel vm0, $0xC0000000, v9;
	v10 =	vperm.xlane v10, v4;
	vm4 =	vgt.s32 v7, v18  }
0x65: {  	(xrf1) =	vsort.dscd.msk.f32 $0xffff, v13, v12;
	v12, v13, _ =	vpop (xrf1);
	vm6 =	veq.f32 v14, v9;
	v9 =	vsel vm4, v7, v18  }
0x66: {  	v19 =	vsel vm0, $0xC0000000, v19;
	v11 =	vperm.xlane v11, v4;
	vm5 =	vge.f32 v12, v10  }
0x67: {  	vm2 =	veq.f32 v15, v19;
	v8 =	vsel vm3, v8, v17;
	v16, v18, _ =	vpop (xrf1);
	v12 =	vsel vm5, v12, v10  }
0x68: {  	[tilespmem:s11+$0x4000] =	vst v15;
	v7 =	vsel vm6, v9, v7;
	v11 =	vsel vm5, v13, v11;
	v10 =	vperm.xlane v16, v4;
	v9, v13, _ =	vpop (xrf1)  }
0x69: {  	[tilespmem:s12+$0x4080] =	vst v14;
	vm4 =	vgt.s32 v8, v62;
	v14 =	vperm.xlane v18, v4;
	(xrf1) =	vsort.dscd.msk.f32 $0xffff, v12, v11;
	v16, v15, _ =	vpop (xrf1)  }
0x6a: {  	s15 =	simm.s32 $0x400;
	s16 =	simm.s32 $0x1400;
	[tilespmem:s12+$0x8080] =	vst v7;
	v7 =	vsel vm4, v8, v62;
	v11 =	vperm.xlane v9, v4;
	vm3 =	vge.f32 v16, v10;
	v12, v9, _ =	vpop (xrf1)  }
.LBB2_2:
0x6b: {  	v22 =	vsel vm3, v15, v14  }
0x6c: {  	p0 =	sne.s32 s16, $0xFC00;
	v17 =	vld [tilespmem:s15+$0xB0];
	v23 =	vperm.xlane v13, v4;
	v10 =	vsel vm3, v16, v10;
	v15, v16, _ =	vpop (xrf1);
	s17 =	smov.u32 s12;
	s12 =	smov.u32 s13  }
0x6d: {  	v12 =	vperm.xlane v12, v4;
	v21 =	vmov v8;
	s13 =	smov.u32 s14;
	s14 =	smov.u32 s15;
	v18 =	vld [tilespmem:s15+$0x90];
	vm3 =	vge.f32 v15, v11;
	v19, v20, _ =	vpop (xrf1);
	(xrf1) =	vsort.dscd.msk.f32 $0xffff, v10, v22  }
0x6e: {  	v9 =	vperm.xlane v9, v4;
	v8 =	vld [tilespmem:s14+$0xA0];
	v10 =	vsel vm3, v15, v11;
	v11 =	vsel vm3, v16, v23;
	v13, v14, _ =	vpop (xrf1)  }
0x6f: {  	v16 =	vperm.xlane v19, v4;
	vm3 =	vmmov vm2;
	v15 =	vld [tilespmem:s14+$0x30];
	vm4 =	vge.f32 v13, v12;
	v19, v22, _ =	vpop (xrf1);
	(xrf1) =	vsort.dscd.msk.f32 $0xffff, v10, v11  }
0x70: {  	v11 =	vperm.xlane v20, v4;
	v12 =	vsel vm4, v13, v12;
	v9 =	vsel vm4, v14, v9;
	v10 =	vld [tilespmem:s14+$0x80];
	v13, v14, _ =	vpop (xrf1)  }
0x71: {  	vm2 =	vge.f32 v19, v16;
	v20 =	vld [tilespmem:s14+$0x10];
	(xrf1) =	vsort.dscd.msk.f32 $0xffff, v17, v3;
	v13 =	vperm.xlane v13, v4;
	v17, v23, _ =	vpop (xrf1)  }
0x72: {  	v16 =	vsel vm2, v19, v16;
	v11 =	vsel vm2, v22, v11;
	v24 =	vld [tilespmem:s14+$0x20];
	(xrf1) =	vsort.dscd.msk.f32 $0xffff, v18, v1  }
0x73: {  	v18 =	vld [tilespmem:s14+$0x0];
	(xrf1) =	vsort.dscd.msk.f32 $0xffff, v8, v2;
	v8 =	vperm.xlane v14, v4;
	vm2 =	vge.f32 v17, v13;
	v14, v19, _ =	vpop (xrf1)  }
0x74: {  	(xrf1) =	vsort.dscd.msk.f32 $0xffff, v15, v3;
	v13 =	vsel vm2, v17, v13;
	v15 =	vperm.xlane v14, v5;
	[tilespmem:s17+$0x4000] =	vst v14  }
0x75: {  	(xrf1) =	vsort.dscd.msk.f32 $0xffff, v10, v0;
	v8 =	vsel vm2, v23, v8;
	v10 =	vperm.xlane v19, v5  }
0x76: {  	v17 =	vperm.xlane v14, v6;
	(xrf1) =	vsort.dscd.msk.f32 $0xffff, v20, v1;
	v15 =	vsel vm1, $0xBF800000, v15;
	v20 =	vperm.xlane v19, v6  }
0x77: {  	(xrf1) =	vsort.dscd.msk.f32 $0xffff, v24, v2;
	v22, v23, _ =	vpop (xrf1);
	vm4 =	veq.f32 v14, v15;
	vm2 =	vlt.s32 v19, v10  }
0x78: {  	v17 =	vsel vm0, $0xC0000000, v17;
	(xrf1) =	vsort.dscd.msk.f32 $0xffff, v18, v0;
	v15 =	vperm.xlane v22, v5;
	v18 =	vperm.xlane v23, v5  }
0x79: {  	(xrf1) =	vsort.dscd.msk.f32 $0xffff, v12, v9;
	[tilespmem:s12+$0x4080] =	vst v22;
	v9 =	vsel vm2, v19, v10;
	vm2 =	veq.f32 v14, v17  }
0x7a: {  	(xrf1) =	vsort.dscd.msk.f32 $0xffff, v16, v11;
	v10 =	vsel vm1, $0xBF800000, v15;
	v11 =	vperm.xlane v22, v6;
	vm5 =	vlt.s32 v23, v18  }
0x7b: {  	v15 =	vperm.xlane v23, v6;
	v12, v14, _ =	vpop (xrf1);
	vm6 =	veq.f32 v22, v10;
	v10 =	vsel vm5, v23, v18  }
0x7c: {  	v12 =	vperm.xlane v12, v4;
	v10 =	vsel vm6, v10, v23;
	(xrf1) =	vsort.dscd.msk.f32 $0xffff, v13, v8  }
0x7d: {  	v8 =	vperm.xlane v14, v4;
	v11 =	vsel vm0, $0xC0000000, v11;
	v13, v14, _ =	vpop (xrf1);
	vm5 =	vgt.s32 v10, v15  }
.Ltmp0:
0x7e: {  	vm7 =	veq.f32 v22, v11;
	vm6 =	vge.f32 v13, v12;
	v11 =	vsel vm5, v10, v15;
	(pc) =	sbr.rel @p0 .LBB2_2-.Ltmp0, $4  }
0x7f: {  	v15, v16, _ =	vpop (xrf1);
	v12 =	vsel vm6, v13, v12;
	v8 =	vsel vm6, v14, v8;
	v11 =	vsel vm7, v11, v10  }
0x80: {  	v10 =	vperm.xlane v15, v4;
	v17, v13, _ =	vpop (xrf1);
	(xrf1) =	vsort.dscd.msk.f32 $0xffff, v12, v8;
	[tilespmem:s12+$0x8080] =	vst v11;
	v8 =	vsel vm4, v9, v19  }
0x81: {  	v18 =	vsel vm3, v7, v21;
	v14 =	vperm.xlane v16, v4;
	v16, v15, _ =	vpop (xrf1);
	vm4 =	vgt.s32 v8, v20  }
0x82: {  	s15 =	sshra.s32 s16, $0x2;
	s16 =	sadd.s32 $0x400, s16;
	v11 =	vperm.xlane v17, v4;
	vm3 =	vge.f32 v16, v10;
	v12, v9, _ =	vpop (xrf1);
	v7 =	vsel vm4, v8, v20;
	[tilespmem:s11+$0x8000] =	vst v18;
	s11 =	smov.u32 s17  }
0x83: {  	v17 =	vld [tilespmem:s15+$0xB0]  }
0x84: {  	v13 =	vperm.xlane v13, v4;
	v18, v19, _ =	vpop (xrf1);
	v20 =	vld [tilespmem:s15+$0x90]  }
0x85: {  	v10 =	vsel vm3, v16, v10;
	v14 =	vsel vm3, v15, v14;
	v36 =	vld [tilespmem:s15+$0xA0];
	vm6 =	vge.f32 v18, v11  }
0x86: {  	v39 =	vld [tilespmem:s15+$0x30];
	(xrf1) =	vsort.dscd.msk.f32 $0xffff, v10, v14;
	v37 =	vsel vm6, v18, v11;
	v38 =	vsel vm6, v19, v13  }
0x87: {  	v40 =	vld [tilespmem:s15+$0x80];
	(xrf1) =	vsort.dscd.msk.f32 $0xffff, v37, v38  }
0x88: {  	(xrf1) =	vsort.dscd.msk.f32 $0xffff, v17, v3  }
0x89: {  	v43 =	vld [tilespmem:s15+$0x10];
	(xrf1) =	vsort.dscd.msk.f32 $0xffff, v20, v1  }
0x8a: {  	v46 =	vld [tilespmem:s15+$0x20];
	v42, v41, _ =	vpop (xrf1);
	(xrf1) =	vsort.dscd.msk.f32 $0xffff, v36, v2  }
0x8b: {  	v44, v45, _ =	vpop (xrf1);
	(xrf1) =	vsort.dscd.msk.f32 $0xffff, v39, v3  }
0x8c: {  	v49 =	vld [tilespmem:s15+$0x0];
	v48, v47, _ =	vpop (xrf1);
	(xrf1) =	vsort.dscd.msk.f32 $0xffff, v40, v0  }
0x8d: {  	v50, v21, _ =	vpop (xrf1)  }
0x8e: {  	v9 =	vperm.xlane v9, v4;
	v52, v22, _ =	vpop (xrf1);
	(xrf1) =	vsort.dscd.msk.f32 $0xffff, v43, v1  }
0x8f: {  	v12 =	vperm.xlane v12, v4;
	v10 =	vperm.xlane v42, v4;
	(xrf1) =	vsort.dscd.msk.f32 $0xffff, v46, v2  }
0x90: {  	v20 =	vperm.xlane v50, v4  }
0x91: {  	vm7 =	vge.f32 v44, v12;
	v54 =	vperm.xlane v21, v4;
	(xrf1) =	vsort.dscd.msk.f32 $0xffff, v49, v0  }
0x92: {  	v51 =	vsel vm7, v45, v9;
	vm8 =	vge.f32 v48, v10;
	v9, v23, _ =	vpop (xrf1);
	vm9 =	vge.f32 v52, v20  }
0x93: {  	v11 =	vperm.xlane v41, v4;
	v53 =	vsel vm8, v48, v10;
	v17 =	vsel vm9, v22, v54;
	v10, v16, _ =	vpop (xrf1)  }
0x94: {  	v12 =	vsel vm7, v44, v12;
	v15 =	vsel vm9, v52, v20;
	v55, v56, _ =	vpop (xrf1)  }
0x95: {  	v11 =	vsel vm8, v47, v11;
	(xrf1) =	vsort.dscd.msk.f32 $0xffff, v12, v51;
	v57 =	vperm.xlane v55, v4;
	v58, v59, _ =	vpop (xrf1)  }
0x96: {  	(xrf1) =	vsort.dscd.msk.f32 $0xffff, v53, v11;
	v60 =	vperm.xlane v56, v4;
	v61, v62, _ =	vpop (xrf1)  }
0x97: {  	(xrf1) =	vsort.dscd.msk.f32 $0xffff, v15, v17;
	vm10 =	vge.f32 v58, v57;
	v13 =	vperm.xlane v61, v4;
	v15, v17, _ =	vpop (xrf1)  }
0x98: {  	v12 =	vsel vm10, v58, v57;
	v11 =	vsel vm10, v59, v60;
	v63 =	vperm.xlane v62, v4;
	v21, v22, _ =	vpop (xrf1)  }
0x99: {  	(xrf1) =	vsort.dscd.msk.f32 $0xffff, v12, v11;
	v24 =	vperm.xlane v15, v4;
	vm11 =	vge.f32 v21, v13;
	v25, v26, _ =	vpop (xrf1)  }
0x9a: {  	v17 =	vperm.xlane v17, v4;
	v13 =	vsel vm11, v21, v13;
	v14 =	vsel vm11, v22, v63;
	v27, v28, _ =	vpop (xrf1)  }
0x9b: {  	vm12 =	vge.f32 v27, v24;
	(xrf1) =	vsort.dscd.msk.f32 $0xffff, v13, v14  }
0x9c: {  	v30 =	vperm.xlane v25, v4;
	v32, v31, _ =	vpop (xrf1);
	v11 =	vsel vm12, v27, v24;
	v29 =	vsel vm12, v28, v17  }
0x9d: {  	vm15 =	vmmov vm2;
	v33 =	vperm.xlane v26, v4;
	v35, v34, _ =	vpop (xrf1);
	(xrf1) =	vsort.dscd.msk.f32 $0xffff, v11, v29  }
0x9e: {  	v7 =	vsel vm15, v7, v8;
	v12 =	vperm.xlane v32, v4;
	vm13 =	vge.f32 v35, v30  }
0x9f: {  	v13 =	vperm.xlane v31, v4;
	v36, v37, _ =	vpop (xrf1);
	v11 =	vsel vm13, v35, v30;
	v14 =	vsel vm13, v34, v33  }
0xa0: {  	v52 =	vperm.xlane v9, v6;
	vm14 =	vge.f32 v36, v12;
	(xrf1) =	vsort.dscd.msk.f32 $0xffff, v11, v14  }
0xa1: {  	v53 =	vperm.xlane v10, v6;
	v42 =	vsel vm14, v36, v12;
	v43 =	vsel vm14, v37, v13  }
0xa2: {  	vm2 =	veq.s32 v0, $0x0;
	v46 =	vperm.xlane v9, v5;
	v55 =	vperm.xlane v23, v6;
	(xrf1) =	vsort.dscd.msk.f32 $0xffff, v42, v43  }
0xa3: {  	v56 =	vsel vm2, $0xC0000000, v53;
	v58 =	vsel vm0, $0xC0000000, v52;
	v26 =	vperm.xlane v16, v5  }
0xa4: {  	vm6 =	veq.f32 v10, v56;
	vm0 =	veq.f32 v9, v58;
	v25 =	vperm.xlane v10, v5;
	v38, v39, _ =	vpop (xrf1)  }
0xa5: {  	v24 =	vperm.xlane v23, v5;
	vm10 =	vlt.s32 v16, v26;
	v15 =	vperm.xlane v38, v4  }
0xa6: {  	v54 =	vsel vm10, v16, v26;
	v41, v40, _ =	vpop (xrf1);
	v11 =	vsel vm1, $0xBF800000, v46;
	vm1 =	veq.s32 v0, $0xF  }
0xa7: {  	v47 =	vperm.xlane v39, v4;
	v13, v44, _ =	vpop (xrf1);
	v25 =	vsel vm1, $0xBF800000, v25;
	vm8 =	vge.f32 v41, v15  }
0xa8: {  	vm5 =	vlt.s32 v23, v24;
	vm4 =	veq.f32 v10, v25;
	v15 =	vsel vm8, v41, v15;
	v18, v45, _ =	vpop (xrf1)  }
0xa9: {  	v12 =	vsel vm8, v40, v47;
	v25 =	vsel vm4, v54, v16;
	v16 =	vperm.xlane v16, v6;
	v49, v48, _ =	vpop (xrf1)  }
0xaa: {  	v57 =	vsel vm5, v23, v24;
	(xrf1) =	vsort.dscd.msk.f32 $0xffff, v15, v12;
	v17 =	vperm.xlane v49, v4  }
0xab: {  	vm11 =	veq.f32 v9, v11;
	v8 =	vperm.xlane v13, v5;
	v22 =	vperm.xlane v48, v4;
	v50, v51, _ =	vpop (xrf1)  }
0xac: {  	v63 =	vperm.xlane v44, v5;
	v32 =	vperm.xlane v13, v6;
	vm9 =	vge.f32 v50, v17  }
0xad: {  	vm12 =	vgt.s32 v25, v16;
	v17 =	vsel vm9, v50, v17;
	v21 =	vsel vm9, v51, v22  }
0xae: {  	vm0 =	vmmov vm0;
	v33 =	vperm.xlane v44, v6;
	v59 =	vsel vm12, v25, v16;
	v61, v16, _ =	vpop (xrf1);
	(xrf1) =	vsort.dscd.msk.f32 $0xffff, v17, v21  }
0xaf: {  	v12 =	vsel vm11, v57, v23;
	v8 =	vsel vm1, $0xBF800000, v8;
	v15 =	vperm.xlane v61, v4  }
0xb0: {  	v37 =	vsel vm2, $0xC0000000, v32;
	vm4 =	vgt.s32 v12, v55;
	v29, v28, _ =	vpop (xrf1);
	v16 =	vperm.xlane v16, v4  }
0xb1: {  	vm11 =	veq.f32 v13, v37;
	v30 =	vperm.xlane v18, v5;
	vm13 =	vge.f32 v29, v15  }
0xb2: {  	v31 =	vperm.xlane v45, v5;
	v15 =	vsel vm13, v29, v15;
	v16 =	vsel vm13, v28, v16  }
0xb3: {  	vm8 =	veq.f32 v13, v8;
	v62 =	vsel vm4, v12, v55;
	vm12 =	vmmov vm11;
	(xrf1) =	vsort.dscd.msk.f32 $0xffff, v15, v16  }
0xb4: {  	v35 =	vperm.xlane v45, v6;
	v23 =	vsel vm1, $0xBF800000, v30;
	vm14 =	vlt.s32 v45, v31  }
0xb5: {  	vm15 =	veq.f32 v18, v23;
	v36 =	vsel vm14, v45, v31;
	vm9 =	vlt.s32 v44, v63  }
0xb6: {  	v60 =	vsel vm6, v59, v25;
	v8 =	vsel vm15, v36, v45;
	v20 =	vsel vm9, v44, v63  }
0xb7: {  	v34 =	vperm.xlane v18, v6;
	vm4 =	vgt.s32 v8, v35;
	v14 =	vsel vm8, v20, v44  }
0xb8: {  	v12 =	vsel vm0, v62, v12;
	v38 =	vsel vm4, v8, v35;
	vm3 =	vgt.s32 v14, v33;
	v39, v16, _ =	vpop (xrf1)  }
0xb9: {  	[tilespmem:s12+$0x4000] =	vst v9;
	v41 =	vsel vm3, v14, v33;
	v15 =	vsel vm2, $0xC0000000, v34;
	v40 =	vperm.xlane v39, v5  }
0xba: {  	[tilespmem:s13+$0x4080] =	vst v10;
	vm10 =	veq.f32 v18, v15;
	v42 =	vperm.xlane v16, v5;
	v47 =	vperm.xlane v39, v6  }
0xbb: {  	[tilespmem:s13+$0x8080] =	vst v60;
	v60 =	vsel vm12, v41, v14;
	v8 =	vsel vm10, v38, v8;
	v48 =	vperm.xlane v16, v6  }
0xbc: {  	[tilespmem:s11+$0x8000] =	vst v7;
	v17 =	vsel vm1, $0xBF800000, v40;
	vm8 =	vlt.s32 v16, v42;
	v7 =	vsel vm2, $0xC0000000, v47;
	v43, v44, _ =	vpop (xrf1)  }
0xbd: {  	vm13 =	veq.f32 v39, v17;
	v54 =	vsel vm8, v16, v42;
	v45 =	vperm.xlane v43, v5  }
0xbe: {  	[tilespmem:s13+$0x4000] =	vst v13;
	vm9 =	veq.f32 v39, v7;
	v46 =	vperm.xlane v44, v5;
	v50 =	vperm.xlane v43, v6  }
0xbf: {  	[tilespmem:s14+$0x8080] =	vst v8;
	v8 =	vsel vm13, v54, v16;
	vm12 =	vmmov vm9;
	v52 =	vperm.xlane v44, v6  }
0xc0: {  	v49 =	vsel vm1, $0xBF800000, v45;
	vm14 =	vlt.s32 v44, v46;
	v55 =	vsel vm2, $0xC0000000, v50  }
0xc1: {  	v51 =	vsel vm14, v44, v46;
	vm15 =	veq.f32 v43, v49;
	vm10 =	veq.f32 v43, v55;
	v57, v56, _ =	vpop (xrf1)  }
0xc2: {  	[tilespmem:s14+$0x4080] =	vst v18;
	v53 =	vsel vm15, v51, v44;
	v58 =	vperm.xlane v57, v5;
	v59 =	vperm.xlane v56, v5  }
0xc3: {  	[tilespmem:s12+$0x8000] =	vst v12;
	v61 =	vperm.xlane v57, v6;
	v62 =	vperm.xlane v56, v6;
	vm4 =	vgt.s32 v53, v52  }
0xc4: {  	[tilespmem:s14+$0x4000] =	vst v39;
	v7 =	vsel vm4, v53, v52;
	v10 =	vsel vm1, $0xBF800000, v58;
	vm11 =	vlt.s32 v56, v59  }
0xc5: {  	[tilespmem:s15+$0x4080] =	vst v43;
	v7 =	vsel vm10, v7, v53;
	vm1 =	veq.f32 v57, v10;
	v63 =	vsel vm11, v56, v59  }
0xc6: {  	vm3 =	vgt.s32 v8, v48;
	v12 =	vsel vm2, $0xC0000000, v61;
	[tilespmem:s15+$0x8080] =	vst v7;
	v10 =	vsel vm1, v63, v56  }
0xc7: {  	vm13 =	veq.f32 v57, v12;
	v7 =	vsel vm3, v8, v48;
	[tilespmem:s13+$0x8000] =	vst v60;
	vm14 =	vgt.s32 v10, v62  }
0xc8: {  	vm15 =	vmmov vm13;
	v7 =	vsel vm12, v7, v8;
	[tilespmem:s15+$0x4000] =	vst v57;
	v8 =	vsel vm14, v10, v62  }
0xc9: {  	[tilespmem:s14+$0x8000] =	vst v7;
	v7 =	vsel vm15, v8, v10  }
0xca: {  	[tilespmem:s15+$0x8000] =	vst v7  }
0xcb: {  	[hbm4b:s4+s2] =	stream.linear.scatter [tilespmem:s8], [sflag:$0x1], $0x4000, $0x38;
	[tilespmem:$0xC000] =	vst v63  }
0xcc: {  	s10 =	sadd.s32 $0x1, s10;
	_ =	swait.ge [sflag:s7], $0x4000  }
0xcd: {  	p0 =	sne.s32 s10, s6;
	[sflag:s7] =	ssyncset.done $0x0  }
.Ltmp1:
0xce: {  	[sflag:s7] =	ssyncadd.s32 $0xFFFFC000;
	(pc) =	sbr.rel @p0 .LBB2_1-.Ltmp1, $4  }
0xcf: {  	[hbm4b:s5+s2] =	stream.linear.scatter [tilespmem:s9], [sflag:$0x1], $0x4000, $0x38;
	[tilespmem:$0xC000] =	vst v63  }
0xd0: {  	_ =	swait.ge [sflag:s7], $0x4000  }
0xd1: {  	[sflag:s7] =	ssyncset.done $0x0  }
0xd2: {  	[sflag:s7] =	ssyncadd.s32 $0xFFFFC000  }
0xd3: {  	_ =	sfence.sel $0x180000  }
0xd4: {  	[bflag:$0x0] =	sbarrier.arrive $0xFFFF  }
0xd5: {  	p0 =	sne.s32 s1, $0x0;
	_ =	strace $0x9000004A  }
0xd6: {  	s0 =	sadd.s32 @!p0 $0x100000, s0;
	[bflag:$0x2] =	sbarrier.arrive $0xFFFF  }
0xd7: {  	[sflag:s0] =	ssyncadd.tile.s32 @!p0 $0x1;
	_ =	shalt  }
.Lfunc_end2:
_tile_overlayer_lowered:
.L_overlay_start_2:
0xd8: {  	(tag) =	ssettag $0x2  }
0xd9: {  	s0 =	rddreg [dreg:$0x0];
	s2 =	stileid.u32  }
0xda: {  	s1 =	rddreg [dreg:$0x1];
	p0 =	sne.s32 s2, $0x0  }
0xdb: {  	s3 =	rddreg [dreg:$0x2];
	[bflag:$0x3] =	sbarrier.arrive $0xFFFF;
	s2 =	simm.s32 @!p0 $0x1C01  }
0xdc: {  	[timem:s3], [sflag:s2] =	dma.local @!p0 [hbm:s0], s1  }
0xdd: {  	s0 =	simm.s32 @!p0 $0x1  }
0xde: {  	_ =	swait.ge @!p0 [sflag:s0], s1  }
0xdf: {  	s1 =	ssub.s32 @!p0 $0x0, s1;
	[sflag:s0] =	ssyncset.done @!p0 $0x0  }
0xe0: {  	[sflag:s0] =	ssyncadd.s32 @!p0 s1  }
0xe1: {  	[bflag:$0x3] =	sbarrier.arrive $0xFFFF  }
0xe2: {  	_ =	shalt  }

// kernel: kernel.9.cloned.1.call-start
scs
__scs_entry_jumppad:
0x0: {  	(pc) =	sbr.rel $0x88, $3  }
0x1: {  	(tag) =	ssettag $0x0;
	lr =	simm.s32 $0x1  }
0x2: {  	[smem:$0x3F9F] =	sst lr;
	_ =	strace $0xD0000000  }
0x3: {  	_ = 	snop  }
0x4: {  	_ = 	snop  }
0x5: {  	_ = 	snop  }
0x6: {  	_ = 	snop  }
0x7: {  	_ = 	snop  }
__scs_overlays_trampoline_lowered:
0x8: {  	[smem:$0x3FAE] =	sst s0  }
0x9: {  	[smem:$0x3FAF] =	sst s1  }
0xa: {  	[smem:$0x3FB0] =	sst s2  }
0xb: {  	[smem:$0x3FB1] =	sst s3  }
0xc: {  	[smem:$0x3FB2] =	sst s4  }
0xd: {  	[smem:$0x3FB3] =	sst s5  }
0xe: {  	[smem:$0x3FB4] =	sst s6  }
0xf: {  	[smem:$0x3FB5] =	sst s7  }
0x10: {  	[smem:$0x3FB6] =	sst s8  }
0x11: {  	[smem:$0x3FB7] =	sst s9;
	s0 =	simm.s32 @!p0 $0x0  }
0x12: {  	s1 =	sld [smem:$0x3F9D];
	s0 =	simm.s32 @p0 $0x1  }
0x13: {  	[smem:$0x3FB8] =	sst s0;
	s0 =	simm.s32 @!p1 $0x0  }
0x14: {  	s2 =	sld [smem:$0x3F9C];
	s0 =	simm.s32 @p1 $0x1  }
0x15: {  	[smem:$0x3FB9] =	sst s0;
	s0 =	simm.s32 @!p2 $0x0  }
0x16: {  	s3 =	sld [smem:$0x3FDB];
	s0 =	simm.s32 @p2 $0x1  }
0x17: {  	s4 =	simm.s32 $0x1BF5;
	[smem:$0x3FBB] =	sst s0  }
0x18: {  	s0 =	sld [smem:$0x3F9E];
	_ =	swait.ge [sflag:s4], $0x0  }
0x19: {  	s7 =	sld [smem:$0x3F9F]  }
0x1a: {  	s8 =	sadd.s32 $0xFFFFE003, lr  }
0x1b: {  	s9 =	sadd.s32 $0xFFFFFEF7, lr;
	s5 =	simm.s32 $0xFFFFFFFF;
	p2 =	slt.u32 s8, $0xFFFFF086  }
0x1c: {  	p1 =	slt.u32 s9, $0xF7A;
	s5 =	simm.s32 @!p2 $0x0  }
0x1d: {  	s5 =	simm.s32 @p1 $0x1;
	p0 =	seq.s32 s7, s2  }
0x1e: {  	s7 =	smul.u32 @!p0 $0xF7A, s2;
	p2 =	seq.s32 @!p0 s5, $0x0  }
0x1f: {  	s9 =	smul.u32 $0xF7A, s1;
	s8 =	simm.s32 @!p0 $0x1BF5;
	p2 =	por !p2, p0  }
0x20: {  	[sflag:s8] =	ssyncset.s32 @!p0 $0xFFFFF086;
	s6 =	sadd.s32 @!p0 s3, s7;
	s7 =	simm.s32 @!p0 $0x108  }
0x21: {  	s3 =	sadd.s32 s3, s9;
	s6 =	sadd.s32 @!p0 $0x88, s6;
	s7 =	simm.s32 @p2 $0x1082  }
0x22: {  	[simem:s7], [sflag:s8] =	dma.local @!p0 [hbm:s6], $0xF7A  }
0x23: {  	s9 =	sor.u32 $0xD0000000, s2;
	s6 =	simm.s32 $0x108;
	_ =	swait.ge @!p0 [sflag:s8], $0x0  }
0x24: {  	s3 =	sadd.s32 $0x88, s3;
	s6 =	simm.s32 @!p1 $0x1082;
	[sflag:s4] =	ssyncset.s32 $0xFFFFF086  }
0x25: {  	[simem:s6], [sflag:s4] =	dma.local [hbm:s3], $0xF7A  }
0x26: {  	[smem:$0x3F9F] =	sst s1;
	(tag) =	ssettag s2;
	_ =	strace s9  }
0x27: {  	s1 =	sld [smem:$0x3FAF]  }
0x28: {  	s2 =	sld [smem:$0x3FB0]  }
0x29: {  	s4 =	sld [smem:$0x3FB2]  }
0x2a: {  	p0 =	seq.s32 s5, $0x0;
	s5 =	sld [smem:$0x3FB3]  }
0x2b: {  	s6 =	sld [smem:$0x3FB4]  }
0x2c: {  	s7 =	sld [smem:$0x3FB5]  }
0x2d: {  	s3 =	simm.s32 $0x108;
	s8 =	sld [smem:$0x3FB6]  }
0x2e: {  	s3 =	simm.s32 @!p0 $0x1082;
	s9 =	sld [smem:$0x3FB7]  }
0x2f: {  	lr =	sadd.s32 s0, s3;
	s0 =	sld [smem:$0x3FAE]  }
0x30: {  	s3 =	sld [smem:$0x3FB1]  }
0x31: {  	[smem:$0x3FBA] =	sst s10  }
0x32: {  	s10 =	sld [smem:$0x3FB8];
	_ =	sdelay $0x3  }
0x33: {  	p0 =	seq.s32 s10, $0x1;
	s10 =	sld [smem:$0x3FBA];
	_ =	sdelay $0x3  }
0x34: {  	[smem:$0x3FBA] =	sst s10  }
0x35: {  	s10 =	sld [smem:$0x3FB9];
	_ =	sdelay $0x3  }
0x36: {  	p1 =	seq.s32 s10, $0x1;
	s10 =	sld [smem:$0x3FBA];
	_ =	sdelay $0x3  }
0x37: {  	[smem:$0x3FBA] =	sst s10  }
0x38: {  	s10 =	sld [smem:$0x3FBB]  }
0x39: {  	_ = 	snop;
	(pc) =	sbr.ind lr, $3  }
0x3a: {  	_ = 	snop  }
0x3b: {  	_ = 	snop  }
0x3c: {  	p2 =	seq.s32 s10, $0x1;
	s10 =	sld [smem:$0x3FBA]  }
0x3d: {  	_ =	shalt  }
0x3e: {  	_ =	shalt  }
0x3f: {  	_ =	shalt  }
0x40: {  	_ =	shalt  }
0x41: {  	_ =	shalt  }
0x42: {  	_ =	shalt  }
0x43: {  	_ =	shalt  }
0x44: {  	_ =	shalt  }
0x45: {  	_ =	shalt  }
0x46: {  	_ =	shalt  }
0x47: {  	_ =	shalt  }
0x48: {  	_ =	shalt  }
0x49: {  	_ =	shalt  }
0x4a: {  	_ =	shalt  }
0x4b: {  	_ =	shalt  }
0x4c: {  	_ =	shalt  }
0x4d: {  	_ =	shalt  }
0x4e: {  	_ =	shalt  }
0x4f: {  	_ =	shalt  }
0x50: {  	_ =	shalt  }
0x51: {  	_ =	shalt  }
0x52: {  	_ =	shalt  }
0x53: {  	_ =	shalt  }
0x54: {  	_ =	shalt  }
0x55: {  	_ =	shalt  }
0x56: {  	_ =	shalt  }
0x57: {  	_ =	shalt  }
0x58: {  	_ =	shalt  }
0x59: {  	_ =	shalt  }
0x5a: {  	_ =	shalt  }
0x5b: {  	_ =	shalt  }
0x5c: {  	_ =	shalt  }
0x5d: {  	_ =	shalt  }
0x5e: {  	_ =	shalt  }
0x5f: {  	_ =	shalt  }
0x60: {  	_ =	shalt  }
0x61: {  	_ =	shalt  }
0x62: {  	_ =	shalt  }
0x63: {  	_ =	shalt  }
0x64: {  	_ =	shalt  }
0x65: {  	_ =	shalt  }
0x66: {  	_ =	shalt  }
0x67: {  	_ =	shalt  }
0x68: {  	_ =	shalt  }
0x69: {  	_ =	shalt  }
0x6a: {  	_ =	shalt  }
0x6b: {  	_ =	shalt  }
0x6c: {  	_ =	shalt  }
0x6d: {  	_ =	shalt  }
0x6e: {  	_ =	shalt  }
0x6f: {  	_ =	shalt  }
0x70: {  	_ =	shalt  }
0x71: {  	_ =	shalt  }
0x72: {  	_ =	shalt  }
0x73: {  	_ =	shalt  }
0x74: {  	_ =	shalt  }
0x75: {  	_ =	shalt  }
0x76: {  	_ =	shalt  }
0x77: {  	_ =	shalt  }
0x78: {  	_ =	shalt  }
0x79: {  	_ =	shalt  }
0x7a: {  	_ =	shalt  }
0x7b: {  	_ =	shalt  }
0x7c: {  	_ =	shalt  }
0x7d: {  	_ =	shalt  }
0x7e: {  	_ =	shalt  }
0x7f: {  	_ =	shalt  }
0x80: {  	_ =	shalt  }
0x81: {  	_ =	shalt  }
0x82: {  	_ =	shalt  }
0x83: {  	_ =	shalt  }
0x84: {  	_ =	shalt  }
0x85: {  	_ =	shalt  }
0x86: {  	_ =	shalt  }
0x87: {  	_ =	shalt  }
.Lfunc_end0:
.L_simem_size_0:
called_computation.1_lowered:
.L_overlay_start_0:
0x88: {  	s2 =	sld [smem:$0x3FD9]  }
0x89: {  	s3 =	sld [smem:$0x3FFE];
	_ =	sdelay $0x1  }
0x8a: {  	s1 =	srdreg.scid  }
0x8b: {  	s0 =	sand.u32 $0x1, s1  }
0x8c: {  	s16 =	sshll.u32 s0, $0xA;
	s2 =	sadd.s32 s3, s2  }
0x8d: {  	s2 =	sadd.s32 s2, s16  }
0x8e: {  	[smem:$0x3FC6] =	sst s2  }
0x8f: {  	_ = 	snop  }
0x90: {  	(tm) =	ssettm $0x1  }
0x91: {  	s17 =	sld [smem:$0x3FFB];
	_ =	sdelay $0x3  }
0x92: {  	_ =	strace s17  }
0x93: {  	s2 =	sld [smem:$0x3FFC];
	_ =	sdelay $0x3  }
0x94: {  	_ =	strace s2  }
0x95: {  	s2 =	sld [smem:$0x3FFD];
	_ =	sdelay $0x3  }
0x96: {  	_ =	strace s2  }
0x97: {  	_ =	strace $0x8FFFFFFF  }
0x98: {  	s18 =	sld [smem:$0x3FDB];
	_ =	sdelay $0x1  }
0x99: {  	s19 =	simm.s32 $_scs_section_size  }
0x9a: {  	s4 =	simm.s32 $_size__tile_overlayer_lowered;
	s5 =	simm.s32 $_tile_overlayer_lowered  }
0x9b: {  	s22 =	simm.s32 $0x1BFF;
	s21 =	sshll.u32 s5, $0x1;
	s2 =	sadd.s32 s19, s18  }
0x9c: {  	s6 =	simm.s32 $0x0;
	s20 =	sshll.u32 s4, $0x1;
	s4 =	sadd.s32 s21, s2  }
0x9d: {  	[timem:s6], [sflag:s22] =	dma.local [hbm:s4], s20  }
0x9e: {  	_ =	swait.ge [sflag:s22], s20  }
0x9f: {  	s3 =	ssub.s32 $0x0, s20;
	[sflag:s22] =	ssyncset.done $0x0  }
0xa0: {  	[sflag:s22] =	ssyncadd.s32 s3;
	_ =	sdelay $0x1  }
0xa1: {  	s23 =	simm.s32 $0x1B8B  }
0xa2: {  	_ =	swait.ge [sflag:s23], $0x1  }
0xa3: {  	[sflag:s23] =	ssyncset.done $0x0  }
0xa4: {  	s25 =	simm.s32 $0x1B8E;
	s24 =	sld [smem:$0x3FFE];
	[sflag:s23] =	ssyncadd.s32 $0xFFFFFFFF  }
0xa5: {  	s26 =	simm.s32 $execute0_lowered;
	[smem:$0x3FD2] =	sst s25  }
0xa6: {  	s4 =	sshll.u32 s26, $0x1;
	_ =	strace $0x80000046;
	[dreg:$0x1] =	wrdreg $0xFFFFFFFF  }
0xa7: {  	s28 =	simm.s32 $_size_execute0_lowered;
	s2 =	sadd.s32 s2, s4;
	[dreg:$0x0] =	wrdreg $0x0  }
0xa8: {  	s4 =	sshll.u32 s28, $0x1;
	[dreg:$0x2] =	wrdreg s2  }
0xa9: {  	[dreg:$0x3] =	wrdreg s4  }
0xaa: {  	[dreg:$0x4] =	wrdreg $0xC0  }
0xab: {  	_ =	task [dreg:s6], $0x5FFFF  }
0xac: {  	[dreg:$0x1] =	wrdreg $0xFFFFFFFF  }
0xad: {  	[dreg:$0x0] =	wrdreg $0x60  }
0xae: {  	[dreg:$0x2] =	wrdreg s24  }
0xaf: {  	[dreg:$0x3] =	wrdreg $0xA  }
0xb0: {  	_ =	task.clear_ibuf [dreg:s6], $0x4FFFF;
	_ =	strace $0x90000046  }
0xb1: {  	s29 =	simm.s32 $0xA;
	_ =	strace $0x80000048  }
0xb2: {  	_ =	swait.ge [sflag:s29], $0x1  }
0xb3: {  	[sflag:s29] =	ssyncadd.s32 $0xFFFFFFFF  }
0xb4: {  	_ =	strace $0x90000048  }
0xb5: {  	_ =	sfence  }
0xb6: {  	s30 =	sld [smem:$0x0];
	_ =	sdelay $0x2  }
0xb7: {  	s31 =	sshll.u32 s1, $0xD;
	s1 =	sshrl.u32 s1, $0x2  }
0xb8: {  	s3 =	sand.u32 $0x4000, s31;
	s1 =	sadd.s32 s1, s30  }
0xb9: {  	s0 =	sor.u32 s3, s0;
	s1 =	sshll.u32 s1, $0x11  }
0xba: {  	s0 =	sor.u32 s1, s0  }
0xbb: {  	s0 =	sadd.s32 $0x8F2B, s0  }
0xbc: {  	[sflag:s0] =	ssyncadd.remote.s32 $0x1  }
0xbd: {  	_ =	sfence.sel $0xFFFF  }
0xbe: {  	[dreg:$0x0] =	wrdreg $0xFFFFFFFF;
	(pc) =	sbr.abs _section_cstart, $3  }
0xbf: {  	[dreg:$0x1] =	wrdreg $0xFFFFFFFF  }
0xc0: {  	_ =	task.clear_ibuf [dreg:s6], $0x2FFFF;
	_ =	strace $0x9FFFFFFF  }
0xc1: {  	(tm) =	ssettm $0x7FFFFFFF  }
tec
execute0_lowered:
.L_overlay_start_1:
0x0: {  	(tag) =	ssettag $0x1  }
0x1: {  	s3 =	rddreg [dreg:$0x0];
	s2 =	srdreg.scid;
	v0 =	vimm.s32 $0xFFEDCBA9;
	v1 =	vimm.s32 $0x87654321  }
0x2: {  	s0 =	rddreg [dreg:$0x1];
	s1 =	stileid.u32;
	v3 =	vimm.s32 $0xEDCBA987;
	s7 =	simm.s32 $0x1;
	v2 =	vunpack.c.l.s4.s8 v0;
	v1 =	vunpack.c.l.s4.s8 v1  }
0x3: {  	v4 =	vimm.s32 $0x65432100;
	s8 =	simm.s32 $0x4000;
	s9 =	simm.s32 $0x8000;
	s4 =	sand.u32 $0x1, s2;
	v0 =	vlaneseq.u32;
	v3 =	vunpack.c.l.s4.s8 v3  }
0x4: {  	s10 =	simm.s32 $0x0;
	s5 =	sshll.u32 s1, $0xC;
	v4 =	vunpack.c.l.s4.s8 v4;
	s6 =	sshll.u32 s4, $0xB;
	v2 =	vunpack.c.0.s8.s32 v2;
	v5 =	vunpack.c.0.s8.s32 v1  }
0x5: {  	s2 =	simm.s32 $0x0;
	s4 =	ssub.s32 $0x2, s4;
	v7 =	vmul.u32 $0xFFFFFFFF, v0;
	s5 =	sor.u32 s6, s5;
	v6 =	vunpack.c.0.s8.s32 v3  }
0x6: {  	[smem:$0x7FF] =	sst s2;
	s30 =	sshrl.u32 s4, $0x1;
	v1 =	vor.u32 $0x10, v0;
	v8 =	vunpack.c.0.s8.s32 v4;
	s5 =	sadd.s32 s5, s3;
	v5 =	vcombine.low v5, v2  }
0x7: {  	_ =	strace $0x80000047;
	v3 =	vor.u32 $0x30, v0;
	s31 =	ssub.s32 s4, s30;
	v4 =	vadd.s32 $0xF, v7;
	s3 =	sadd.s32 $0x1C00, s5;
	v6 =	vand.u32 $0xF, v6  }
0x8: {  	s4 =	sadd.s32 $0x11C00, s5;
	s5 =	sadd.s32 $0x21C00, s5;
	s6 =	smax.u32 s31, $0x1;
	v2 =	vor.u32 $0x20, v0;
	v6 =	vcombine.low v8, v6;
	v5 =	vand.u32 $0xF, v5  }
.LBB2_1:
0x9: {  	[tilespmem:s2], [sflag:$0x1] =	stream.linear.gather [hbm4b:s3+s2], $0x4000, $0x38;
	[tilespmem:$0xC000] =	vst v63  }
0xa: {  	_ =	swait.ge [sflag:s7], $0x4000  }
0xb: {  	[sflag:s7] =	ssyncset.done $0x0  }
0xc: {  	s11 =	simm.s32 $0x0;
	[sflag:s7] =	ssyncadd.s32 $0xFFFFC000  }
0xd: {  	v7 =	vld [tilespmem:s11+$0xB0]  }
0xe: {  	v8 =	vld [tilespmem:s11+$0x90]  }
0xf: {  	v9 =	vld [tilespmem:s11+$0xA0]  }
0x10: {  	v10 =	vld [tilespmem:s11+$0x30]  }
0x11: {  	v11 =	vld [tilespmem:s11+$0x80]  }
0x12: {  	(xrf1) =	vsort.dscd.msk.f32 $0xffff, v7, v3  }
0x13: {  	(xrf1) =	vsort.dscd.msk.f32 $0xffff, v8, v1  }
0x14: {  	(xrf1) =	vsort.dscd.msk.f32 $0xffff, v9, v2  }
0x15: {  	(xrf1) =	vsort.dscd.msk.f32 $0xffff, v10, v3  }
0x16: {  	(xrf1) =	vsort.dscd.msk.f32 $0xffff, v11, v0;
	_ =	sdelay $0x5  }
0x17: {  	v7 =	vld [tilespmem:s11+$0x10]  }
0x18: {  	v8 =	vld [tilespmem:s11+$0x20]  }
0x19: {  	v9 =	vld [tilespmem:s11+$0x0];
	_ =	sdelay $0x1  }
0x1a: {  	v10, v11, _ =	vpop (xrf1)  }
0x1b: {  	(xrf1) =	vsort.dscd.msk.f32 $0xffff, v7, v1;
	v7 =	vperm.xlane v10, v4;
	v10, v12, _ =	vpop (xrf1)  }
0x1c: {  	(xrf1) =	vsort.dscd.msk.f32 $0xffff, v8, v2;
	v8 =	vperm.xlane v11, v4;
	v11, v13, _ =	vpop (xrf1)  }
0x1d: {  	(xrf1) =	vsort.dscd.msk.f32 $0xffff, v9, v0;
	v9 =	vperm.xlane v10, v4;
	vm0 =	vge.f32 v11, v7;
	v10, v14, _ =	vpop (xrf1)  }
0x1e: {  	v12 =	vperm.xlane v12, v4;
	v7 =	vsel vm0, v11, v7;
	v8 =	vsel vm0, v13, v8;
	v11, v13, _ =	vpop (xrf1)  }
0x1f: {  	s12 =	simm.s32 $0x100;
	vm0 =	vge.f32 v11, v9;
	(xrf1) =	vsort.dscd.msk.f32 $0xffff, v7, v8  }
0x20: {  	v15 =	vld [tilespmem:s12+$0xB0];
	v8 =	vsel vm0, v11, v9;
	v9 =	vsel vm0, v13, v12  }
0x21: {  	v16 =	vld [tilespmem:s12+$0x90];
	(xrf1) =	vsort.dscd.msk.f32 $0xffff, v8, v9  }
0x22: {  	v7 =	vld [tilespmem:s12+$0xA0]  }
0x23: {  	v11 =	vld [tilespmem:s12+$0x30]  }
0x24: {  	v8 =	vld [tilespmem:s12+$0x80]  }
0x25: {  	(xrf1) =	vsort.dscd.msk.f32 $0xffff, v15, v3  }
0x26: {  	(xrf1) =	vsort.dscd.msk.f32 $0xffff, v16, v1  }
0x27: {  	(xrf1) =	vsort.dscd.msk.f32 $0xffff, v7, v2  }
0x28: {  	v7 =	vld [tilespmem:s12+$0x10];
	(xrf1) =	vsort.dscd.msk.f32 $0xffff, v11, v3  }
0x29: {  	(xrf1) =	vsort.dscd.msk.f32 $0xffff, v8, v0;
	v8 =	vld [tilespmem:s12+$0x20]  }
0x2a: {  	v12 =	vld [tilespmem:s12+$0x0];
	v9 =	vperm.xlane v10, v4;
	v10, v11, _ =	vpop (xrf1)  }
0x2b: {  	v13 =	vperm.xlane v14, v4;
	v14, v15, _ =	vpop (xrf1)  }
0x2c: {  	v10 =	vperm.xlane v10, v4;
	v11 =	vperm.xlane v11, v4;
	vm0 =	vge.f32 v14, v9;
	v16, v17, _ =	vpop (xrf1)  }
0x2d: {  	(xrf1) =	vsort.dscd.msk.f32 $0xffff, v7, v1;
	v9 =	vsel vm0, v14, v9;
	v13 =	vsel vm0, v15, v13;
	v7, v14, _ =	vpop (xrf1)  }
0x2e: {  	vm0 =	vge.f32 v16, v10;
	(xrf1) =	vsort.dscd.msk.f32 $0xffff, v8, v2;
	v7 =	vperm.xlane v7, v4  }
0x2f: {  	v8 =	vsel vm0, v16, v10;
	(xrf1) =	vsort.dscd.msk.f32 $0xffff, v12, v0;
	v10 =	vperm.xlane v14, v4;
	v12, v14, _ =	vpop (xrf1)  }
0x30: {  	v11 =	vsel vm0, v17, v11;
	vm0 =	vge.f32 v12, v7  }
0x31: {  	v10 =	vsel vm0, v14, v10  }
0x32: {  	(xrf1) =	vsort.dscd.msk.f32 $0xffff, v9, v13  }
0x33: {  	(xrf1) =	vsort.dscd.msk.f32 $0xffff, v8, v11;
	v8, v9, _ =	vpop (xrf1);
	v7 =	vsel vm0, v12, v7  }
0x34: {  	v8 =	vperm.xlane v8, v4;
	v11, v12, _ =	vpop (xrf1);
	(xrf1) =	vsort.dscd.msk.f32 $0xffff, v7, v10  }
0x35: {  	v7 =	vperm.xlane v9, v4;
	v9, v10, _ =	vpop (xrf1)  }
0x36: {  	s13 =	simm.s32 $0x200;
	v11 =	vperm.xlane v11, v4;
	vm0 =	vge.f32 v9, v8;
	v13, v14, _ =	vpop (xrf1)  }
0x37: {  	v15 =	vld [tilespmem:s13+$0xB0];
	v12 =	vperm.xlane v12, v4;
	v8 =	vsel vm0, v9, v8;
	v7 =	vsel vm0, v10, v7;
	v9, v10, _ =	vpop (xrf1)  }
0x38: {  	v16 =	vld [tilespmem:s13+$0x90];
	vm0 =	vge.f32 v9, v11;
	(xrf1) =	vsort.dscd.msk.f32 $0xffff, v8, v7  }
0x39: {  	v7 =	vld [tilespmem:s13+$0xA0];
	v8 =	vsel vm0, v9, v11;
	v9 =	vsel vm0, v10, v12  }
0x3a: {  	v10 =	vld [tilespmem:s13+$0x30];
	(xrf1) =	vsort.dscd.msk.f32 $0xffff, v8, v9  }
0x3b: {  	v8 =	vld [tilespmem:s13+$0x80]  }
0x3c: {  	v14 =	vperm.xlane v14, v4;
	v11 =	vperm.xlane v13, v4;
	v12, v13, _ =	vpop (xrf1);
	v9 =	vld [tilespmem:s13+$0x10];
	(xrf1) =	vsort.dscd.msk.f32 $0xffff, v15, v3  }
0x3d: {  	v13 =	vperm.xlane v13, v4;
	v15 =	vld [tilespmem:s13+$0x20];
	(xrf1) =	vsort.dscd.msk.f32 $0xffff, v16, v1  }
0x3e: {  	v12 =	vperm.xlane v12, v4;
	v16, v17, _ =	vpop (xrf1);
	(xrf1) =	vsort.dscd.msk.f32 $0xffff, v7, v2  }
0x3f: {  	v18 =	vld [tilespmem:s13+$0x0];
	vm0 =	vge.f32 v16, v11;
	v7, v19, _ =	vpop (xrf1);
	(xrf1) =	vsort.dscd.msk.f32 $0xffff, v10, v3  }
0x40: {  	v10 =	vsel vm0, v16, v11;
	v11 =	vsel vm0, v17, v14;
	v14, v16, _ =	vpop (xrf1);
	(xrf1) =	vsort.dscd.msk.f32 $0xffff, v8, v0  }
0x41: {  	vm0 =	vge.f32 v7, v12;
	v8 =	vperm.xlane v14, v4;
	v14, v17, _ =	vpop (xrf1);
	(xrf1) =	vsort.dscd.msk.f32 $0xffff, v9, v1  }
0x42: {  	v7 =	vsel vm0, v7, v12;
	v9 =	vsel vm0, v19, v13;
	v12, v13, _ =	vpop (xrf1);
	(xrf1) =	vsort.dscd.msk.f32 $0xffff, v15, v2  }
0x43: {  	v15 =	vperm.xlane v16, v4;
	v16 =	vperm.xlane v12, v5;
	vm0 =	vge.f32 v14, v8  }
0x44: {  	(xrf1) =	vsort.dscd.msk.f32 $0xffff, v18, v0;
	v18 =	vperm.xlane v13, v5;
	v8 =	vsel vm0, v14, v8  }
0x45: {  	vm1 =	veq.s32 v0, $0xF;
	(xrf1) =	vsort.dscd.msk.f32 $0xffff, v10, v11;
	v10 =	vsel vm0, v17, v15;
	v15 =	vperm.xlane v13, v6  }
0x46: {  	(xrf1) =	vsort.dscd.msk.f32 $0xffff, v7, v9;
	v7 =	vsel vm1, $0xBF800000, v16;
	v9 =	vperm.xlane v12, v6;
	vm0 =	vlt.s32 v13, v18;
	v11, v14, _ =	vpop (xrf1)  }
0x47: {  	vm2 =	veq.f32 v12, v7;
	v7 =	vsel vm0, v13, v18;
	v11 =	vperm.xlane v11, v4  }
0x48: {  	vm0 =	veq.s32 v0, $0x0;
	v7 =	vsel vm2, v7, v13;
	(xrf1) =	vsort.dscd.msk.f32 $0xffff, v8, v10;
	v10, v13, _ =	vpop (xrf1)  }
0x49: {  	v9 =	vsel vm0, $0xC0000000, v9;
	vm2 =	vgt.s32 v7, v15;
	vm3 =	vge.f32 v10, v11  }
0x4a: {  	v10 =	vsel vm3, v10, v11;
	v11 =	vsel vm2, v7, v15  }
0x4b: {  	v8 =	vperm.xlane v14, v4  }
0x4c: {  	vm4 =	veq.f32 v12, v9;
	v9, v14, _ =	vpop (xrf1)  }
0x4d: {  	v8 =	vsel vm3, v13, v8;
	v9 =	vperm.xlane v9, v4;
	v13, v15, _ =	vpop (xrf1)  }
0x4e: {  	[tilespmem:s11+$0x4080] =	vst v12;
	(xrf1) =	vsort.dscd.msk.f32 $0xffff, v10, v8;
	v7 =	vsel vm4, v11, v7;
	v8 =	vperm.xlane v14, v4;
	v10, v11, _ =	vpop (xrf1)  }
0x4f: {  	[tilespmem:s11+$0x8080] =	vst v7;
	v7 =	vperm.xlane v13, v4;
	vm2 =	vge.f32 v10, v9;
	v12, v13, _ =	vpop (xrf1)  }
0x50: {  	v15 =	vperm.xlane v15, v4;
	v9 =	vsel vm2, v10, v9;
	v8 =	vsel vm2, v11, v8;
	v10, v11, _ =	vpop (xrf1)  }
0x51: {  	vm2 =	vge.f32 v10, v7  }
0x52: {  	s14 =	simm.s32 $0x300;
	v7 =	vsel vm2, v10, v7;
	v10 =	vsel vm2, v11, v15  }
0x53: {  	v14 =	vld [tilespmem:s14+$0xB0]  }
0x54: {  	v16 =	vld [tilespmem:s14+$0x90];
	(xrf1) =	vsort.dscd.msk.f32 $0xffff, v9, v8;
	v8 =	vperm.xlane v12, v4;
	v9, v12, _ =	vpop (xrf1)  }
0x55: {  	v17 =	vld [tilespmem:s14+$0xA0];
	v11 =	vperm.xlane v13, v4;
	v13, v15, _ =	vpop (xrf1)  }
0x56: {  	v18 =	vld [tilespmem:s14+$0x30];
	(xrf1) =	vsort.dscd.msk.f32 $0xffff, v7, v10;
	v7 =	vperm.xlane v9, v4;
	vm2 =	vge.f32 v13, v8;
	v9, v10, _ =	vpop (xrf1)  }
0x57: {  	v19 =	vld [tilespmem:s14+$0x80];
	v12 =	vperm.xlane v12, v4;
	v8 =	vsel vm2, v13, v8;
	v11 =	vsel vm2, v15, v11;
	v13, v15, _ =	vpop (xrf1)  }
0x58: {  	v20 =	vld [tilespmem:s14+$0x10];
	(xrf1) =	vsort.dscd.msk.f32 $0xffff, v14, v3;
	vm2 =	vge.f32 v9, v7;
	v13 =	vperm.xlane v13, v4  }
0x59: {  	v14 =	vld [tilespmem:s14+$0x20];
	(xrf1) =	vsort.dscd.msk.f32 $0xffff, v16, v1;
	v16, v21, _ =	vpop (xrf1);
	v7 =	vsel vm2, v9, v7;
	v9 =	vsel vm2, v10, v12  }
0x5a: {  	v10 =	vld [tilespmem:s14+$0x0];
	v12 =	vperm.xlane v15, v4;
	(xrf1) =	vsort.dscd.msk.f32 $0xffff, v17, v2;
	v15, v17, _ =	vpop (xrf1);
	vm2 =	vge.f32 v16, v13  }
0x5b: {  	(xrf1) =	vsort.dscd.msk.f32 $0xffff, v18, v3;
	v13 =	vsel vm2, v16, v13;
	v16 =	vperm.xlane v15, v5  }
0x5c: {  	v18 =	vperm.xlane v17, v5;
	(xrf1) =	vsort.dscd.msk.f32 $0xffff, v19, v0  }
0x5d: {  	v12 =	vsel vm2, v21, v12;
	(xrf1) =	vsort.dscd.msk.f32 $0xffff, v20, v1;
	v16 =	vsel vm1, $0xBF800000, v16  }
0x5e: {  	vm2 =	vlt.s32 v17, v18;
	(xrf1) =	vsort.dscd.msk.f32 $0xffff, v14, v2;
	v14, v63, _ =	vpop (xrf1);
	vm3 =	veq.f32 v15, v16  }
0x5f: {  	(xrf1) =	vsort.dscd.msk.f32 $0xffff, v10, v0;
	v10 =	vperm.xlane v14, v5;
	v16 =	vperm.xlane v63, v5  }
0x60: {  	(xrf1) =	vsort.dscd.msk.f32 $0xffff, v8, v11;
	v8 =	vsel vm2, v17, v18  }
0x61: {  	v18 =	vperm.xlane v63, v6;
	(xrf1) =	vsort.dscd.msk.f32 $0xffff, v7, v9;
	v7 =	vsel vm1, $0xBF800000, v10;
	vm4 =	vlt.s32 v63, v16  }
0x62: {  	v9 =	vperm.xlane v14, v6;
	vm5 =	veq.f32 v14, v7;
	v7 =	vsel vm4, v63, v16  }
0x63: {  	v62 =	vperm.xlane v17, v6;
	v19 =	vperm.xlane v15, v6;
	v10, v11, _ =	vpop (xrf1);
	v7 =	vsel vm5, v7, v63  }
0x64: {  	v9 =	vsel vm0, $0xC0000000, v9;
	v10 =	vperm.xlane v10, v4;
	vm4 =	vgt.s32 v7, v18  }
0x65: {  	(xrf1) =	vsort.dscd.msk.f32 $0xffff, v13, v12;
	v12, v13, _ =	vpop (xrf1);
	vm6 =	veq.f32 v14, v9;
	v9 =	vsel vm4, v7, v18  }
0x66: {  	v19 =	vsel vm0, $0xC0000000, v19;
	v11 =	vperm.xlane v11, v4;
	vm5 =	vge.f32 v12, v10  }
0x67: {  	vm2 =	veq.f32 v15, v19;
	v8 =	vsel vm3, v8, v17;
	v16, v18, _ =	vpop (xrf1);
	v12 =	vsel vm5, v12, v10  }
0x68: {  	[tilespmem:s11+$0x4000] =	vst v15;
	v7 =	vsel vm6, v9, v7;
	v11 =	vsel vm5, v13, v11;
	v10 =	vperm.xlane v16, v4;
	v9, v13, _ =	vpop (xrf1)  }
0x69: {  	[tilespmem:s12+$0x4080] =	vst v14;
	vm4 =	vgt.s32 v8, v62;
	v14 =	vperm.xlane v18, v4;
	(xrf1) =	vsort.dscd.msk.f32 $0xffff, v12, v11;
	v16, v15, _ =	vpop (xrf1)  }
0x6a: {  	s15 =	simm.s32 $0x400;
	s16 =	simm.s32 $0x1400;
	[tilespmem:s12+$0x8080] =	vst v7;
	v7 =	vsel vm4, v8, v62;
	v11 =	vperm.xlane v9, v4;
	vm3 =	vge.f32 v16, v10;
	v12, v9, _ =	vpop (xrf1)  }
.LBB2_2:
0x6b: {  	v22 =	vsel vm3, v15, v14  }
0x6c: {  	p0 =	sne.s32 s16, $0xFC00;
	v17 =	vld [tilespmem:s15+$0xB0];
	v23 =	vperm.xlane v13, v4;
	v10 =	vsel vm3, v16, v10;
	v15, v16, _ =	vpop (xrf1);
	s17 =	smov.u32 s12;
	s12 =	smov.u32 s13  }
0x6d: {  	v12 =	vperm.xlane v12, v4;
	v21 =	vmov v8;
	s13 =	smov.u32 s14;
	s14 =	smov.u32 s15;
	v18 =	vld [tilespmem:s15+$0x90];
	vm3 =	vge.f32 v15, v11;
	v19, v20, _ =	vpop (xrf1);
	(xrf1) =	vsort.dscd.msk.f32 $0xffff, v10, v22  }
0x6e: {  	v9 =	vperm.xlane v9, v4;
	v8 =	vld [tilespmem:s14+$0xA0];
	v10 =	vsel vm3, v15, v11;
	v11 =	vsel vm3, v16, v23;
	v13, v14, _ =	vpop (xrf1)  }
0x6f: {  	v16 =	vperm.xlane v19, v4;
	vm3 =	vmmov vm2;
	v15 =	vld [tilespmem:s14+$0x30];
	vm4 =	vge.f32 v13, v12;
	v19, v22, _ =	vpop (xrf1);
	(xrf1) =	vsort.dscd.msk.f32 $0xffff, v10, v11  }
0x70: {  	v11 =	vperm.xlane v20, v4;
	v12 =	vsel vm4, v13, v12;
	v9 =	vsel vm4, v14, v9;
	v10 =	vld [tilespmem:s14+$0x80];
	v13, v14, _ =	vpop (xrf1)  }
0x71: {  	vm2 =	vge.f32 v19, v16;
	v20 =	vld [tilespmem:s14+$0x10];
	(xrf1) =	vsort.dscd.msk.f32 $0xffff, v17, v3;
	v13 =	vperm.xlane v13, v4;
	v17, v23, _ =	vpop (xrf1)  }
0x72: {  	v16 =	vsel vm2, v19, v16;
	v11 =	vsel vm2, v22, v11;
	v24 =	vld [tilespmem:s14+$0x20];
	(xrf1) =	vsort.dscd.msk.f32 $0xffff, v18, v1  }
0x73: {  	v18 =	vld [tilespmem:s14+$0x0];
	(xrf1) =	vsort.dscd.msk.f32 $0xffff, v8, v2;
	v8 =	vperm.xlane v14, v4;
	vm2 =	vge.f32 v17, v13;
	v14, v19, _ =	vpop (xrf1)  }
0x74: {  	(xrf1) =	vsort.dscd.msk.f32 $0xffff, v15, v3;
	v13 =	vsel vm2, v17, v13;
	v15 =	vperm.xlane v14, v5;
	[tilespmem:s17+$0x4000] =	vst v14  }
0x75: {  	(xrf1) =	vsort.dscd.msk.f32 $0xffff, v10, v0;
	v8 =	vsel vm2, v23, v8;
	v10 =	vperm.xlane v19, v5  }
0x76: {  	v17 =	vperm.xlane v14, v6;
	(xrf1) =	vsort.dscd.msk.f32 $0xffff, v20, v1;
	v15 =	vsel vm1, $0xBF800000, v15;
	v20 =	vperm.xlane v19, v6  }
0x77: {  	(xrf1) =	vsort.dscd.msk.f32 $0xffff, v24, v2;
	v22, v23, _ =	vpop (xrf1);
	vm4 =	veq.f32 v14, v15;
	vm2 =	vlt.s32 v19, v10  }
0x78: {  	v17 =	vsel vm0, $0xC0000000, v17;
	(xrf1) =	vsort.dscd.msk.f32 $0xffff, v18, v0;
	v15 =	vperm.xlane v22, v5;
	v18 =	vperm.xlane v23, v5  }
0x79: {  	(xrf1) =	vsort.dscd.msk.f32 $0xffff, v12, v9;
	[tilespmem:s12+$0x4080] =	vst v22;
	v9 =	vsel vm2, v19, v10;
	vm2 =	veq.f32 v14, v17  }
0x7a: {  	(xrf1) =	vsort.dscd.msk.f32 $0xffff, v16, v11;
	v10 =	vsel vm1, $0xBF800000, v15;
	v11 =	vperm.xlane v22, v6;
	vm5 =	vlt.s32 v23, v18  }
0x7b: {  	v15 =	vperm.xlane v23, v6;
	v12, v14, _ =	vpop (xrf1);
	vm6 =	veq.f32 v22, v10;
	v10 =	vsel vm5, v23, v18  }
0x7c: {  	v12 =	vperm.xlane v12, v4;
	v10 =	vsel vm6, v10, v23;
	(xrf1) =	vsort.dscd.msk.f32 $0xffff, v13, v8  }
0x7d: {  	v8 =	vperm.xlane v14, v4;
	v11 =	vsel vm0, $0xC0000000, v11;
	v13, v14, _ =	vpop (xrf1);
	vm5 =	vgt.s32 v10, v15  }
.Ltmp0:
0x7e: {  	vm7 =	veq.f32 v22, v11;
	vm6 =	vge.f32 v13, v12;
	v11 =	vsel vm5, v10, v15;
	(pc) =	sbr.rel @p0 .LBB2_2-.Ltmp0, $4  }
0x7f: {  	v15, v16, _ =	vpop (xrf1);
	v12 =	vsel vm6, v13, v12;
	v8 =	vsel vm6, v14, v8;
	v11 =	vsel vm7, v11, v10  }
0x80: {  	v10 =	vperm.xlane v15, v4;
	v17, v13, _ =	vpop (xrf1);
	(xrf1) =	vsort.dscd.msk.f32 $0xffff, v12, v8;
	[tilespmem:s12+$0x8080] =	vst v11;
	v8 =	vsel vm4, v9, v19  }
0x81: {  	v18 =	vsel vm3, v7, v21;
	v14 =	vperm.xlane v16, v4;
	v16, v15, _ =	vpop (xrf1);
	vm4 =	vgt.s32 v8, v20  }
0x82: {  	s15 =	sshra.s32 s16, $0x2;
	s16 =	sadd.s32 $0x400, s16;
	v11 =	vperm.xlane v17, v4;
	vm3 =	vge.f32 v16, v10;
	v12, v9, _ =	vpop (xrf1);
	v7 =	vsel vm4, v8, v20;
	[tilespmem:s11+$0x8000] =	vst v18;
	s11 =	smov.u32 s17  }
0x83: {  	v17 =	vld [tilespmem:s15+$0xB0]  }
0x84: {  	v13 =	vperm.xlane v13, v4;
	v18, v19, _ =	vpop (xrf1);
	v20 =	vld [tilespmem:s15+$0x90]  }
0x85: {  	v10 =	vsel vm3, v16, v10;
	v14 =	vsel vm3, v15, v14;
	v36 =	vld [tilespmem:s15+$0xA0];
	vm6 =	vge.f32 v18, v11  }
0x86: {  	v39 =	vld [tilespmem:s15+$0x30];
	(xrf1) =	vsort.dscd.msk.f32 $0xffff, v10, v14;
	v37 =	vsel vm6, v18, v11;
	v38 =	vsel vm6, v19, v13  }
0x87: {  	v40 =	vld [tilespmem:s15+$0x80];
	(xrf1) =	vsort.dscd.msk.f32 $0xffff, v37, v38  }
0x88: {  	(xrf1) =	vsort.dscd.msk.f32 $0xffff, v17, v3  }
0x89: {  	v43 =	vld [tilespmem:s15+$0x10];
	(xrf1) =	vsort.dscd.msk.f32 $0xffff, v20, v1  }
0x8a: {  	v46 =	vld [tilespmem:s15+$0x20];
	v42, v41, _ =	vpop (xrf1);
	(xrf1) =	vsort.dscd.msk.f32 $0xffff, v36, v2  }
0x8b: {  	v44, v45, _ =	vpop (xrf1);
	(xrf1) =	vsort.dscd.msk.f32 $0xffff, v39, v3  }
0x8c: {  	v49 =	vld [tilespmem:s15+$0x0];
	v48, v47, _ =	vpop (xrf1);
	(xrf1) =	vsort.dscd.msk.f32 $0xffff, v40, v0  }
0x8d: {  	v50, v21, _ =	vpop (xrf1)  }
0x8e: {  	v9 =	vperm.xlane v9, v4;
	v52, v22, _ =	vpop (xrf1);
	(xrf1) =	vsort.dscd.msk.f32 $0xffff, v43, v1  }
0x8f: {  	v12 =	vperm.xlane v12, v4;
	v10 =	vperm.xlane v42, v4;
	(xrf1) =	vsort.dscd.msk.f32 $0xffff, v46, v2  }
0x90: {  	v20 =	vperm.xlane v50, v4  }
0x91: {  	vm7 =	vge.f32 v44, v12;
	v54 =	vperm.xlane v21, v4;
	(xrf1) =	vsort.dscd.msk.f32 $0xffff, v49, v0  }
0x92: {  	v51 =	vsel vm7, v45, v9;
	vm8 =	vge.f32 v48, v10;
	v9, v23, _ =	vpop (xrf1);
	vm9 =	vge.f32 v52, v20  }
0x93: {  	v11 =	vperm.xlane v41, v4;
	v53 =	vsel vm8, v48, v10;
	v17 =	vsel vm9, v22, v54;
	v10, v16, _ =	vpop (xrf1)  }
0x94: {  	v12 =	vsel vm7, v44, v12;
	v15 =	vsel vm9, v52, v20;
	v55, v56, _ =	vpop (xrf1)  }
0x95: {  	v11 =	vsel vm8, v47, v11;
	(xrf1) =	vsort.dscd.msk.f32 $0xffff, v12, v51;
	v57 =	vperm.xlane v55, v4;
	v58, v59, _ =	vpop (xrf1)  }
0x96: {  	(xrf1) =	vsort.dscd.msk.f32 $0xffff, v53, v11;
	v60 =	vperm.xlane v56, v4;
	v61, v62, _ =	vpop (xrf1)  }
0x97: {  	(xrf1) =	vsort.dscd.msk.f32 $0xffff, v15, v17;
	vm10 =	vge.f32 v58, v57;
	v13 =	vperm.xlane v61, v4;
	v15, v17, _ =	vpop (xrf1)  }
0x98: {  	v12 =	vsel vm10, v58, v57;
	v11 =	vsel vm10, v59, v60;
	v63 =	vperm.xlane v62, v4;
	v21, v22, _ =	vpop (xrf1)  }
0x99: {  	(xrf1) =	vsort.dscd.msk.f32 $0xffff, v12, v11;
	v24 =	vperm.xlane v15, v4;
	vm11 =	vge.f32 v21, v13;
	v25, v26, _ =	vpop (xrf1)  }
0x9a: {  	v17 =	vperm.xlane v17, v4;
	v13 =	vsel vm11, v21, v13;
	v14 =	vsel vm11, v22, v63;
	v27, v28, _ =	vpop (xrf1)  }
0x9b: {  	vm12 =	vge.f32 v27, v24;
	(xrf1) =	vsort.dscd.msk.f32 $0xffff, v13, v14  }
0x9c: {  	v30 =	vperm.xlane v25, v4;
	v32, v31, _ =	vpop (xrf1);
	v11 =	vsel vm12, v27, v24;
	v29 =	vsel vm12, v28, v17  }
0x9d: {  	vm15 =	vmmov vm2;
	v33 =	vperm.xlane v26, v4;
	v35, v34, _ =	vpop (xrf1);
	(xrf1) =	vsort.dscd.msk.f32 $0xffff, v11, v29  }
0x9e: {  	v7 =	vsel vm15, v7, v8;
	v12 =	vperm.xlane v32, v4;
	vm13 =	vge.f32 v35, v30  }
0x9f: {  	v13 =	vperm.xlane v31, v4;
	v36, v37, _ =	vpop (xrf1);
	v11 =	vsel vm13, v35, v30;
	v14 =	vsel vm13, v34, v33  }
0xa0: {  	v52 =	vperm.xlane v9, v6;
	vm14 =	vge.f32 v36, v12;
	(xrf1) =	vsort.dscd.msk.f32 $0xffff, v11, v14  }
0xa1: {  	v53 =	vperm.xlane v10, v6;
	v42 =	vsel vm14, v36, v12;
	v43 =	vsel vm14, v37, v13  }
0xa2: {  	vm2 =	veq.s32 v0, $0x0;
	v46 =	vperm.xlane v9, v5;
	v55 =	vperm.xlane v23, v6;
	(xrf1) =	vsort.dscd.msk.f32 $0xffff, v42, v43  }
0xa3: {  	v56 =	vsel vm2, $0xC0000000, v53;
	v58 =	vsel vm0, $0xC0000000, v52;
	v26 =	vperm.xlane v16, v5  }
0xa4: {  	vm6 =	veq.f32 v10, v56;
	vm0 =	veq.f32 v9, v58;
	v25 =	vperm.xlane v10, v5;
	v38, v39, _ =	vpop (xrf1)  }
0xa5: {  	v24 =	vperm.xlane v23, v5;
	vm10 =	vlt.s32 v16, v26;
	v15 =	vperm.xlane v38, v4  }
0xa6: {  	v54 =	vsel vm10, v16, v26;
	v41, v40, _ =	vpop (xrf1);
	v11 =	vsel vm1, $0xBF800000, v46;
	vm1 =	veq.s32 v0, $0xF  }
0xa7: {  	v47 =	vperm.xlane v39, v4;
	v13, v44, _ =	vpop (xrf1);
	v25 =	vsel vm1, $0xBF800000, v25;
	vm8 =	vge.f32 v41, v15  }
0xa8: {  	vm5 =	vlt.s32 v23, v24;
	vm4 =	veq.f32 v10, v25;
	v15 =	vsel vm8, v41, v15;
	v18, v45, _ =	vpop (xrf1)  }
0xa9: {  	v12 =	vsel vm8, v40, v47;
	v25 =	vsel vm4, v54, v16;
	v16 =	vperm.xlane v16, v6;
	v49, v48, _ =	vpop (xrf1)  }
0xaa: {  	v57 =	vsel vm5, v23, v24;
	(xrf1) =	vsort.dscd.msk.f32 $0xffff, v15, v12;
	v17 =	vperm.xlane v49, v4  }
0xab: {  	vm11 =	veq.f32 v9, v11;
	v8 =	vperm.xlane v13, v5;
	v22 =	vperm.xlane v48, v4;
	v50, v51, _ =	vpop (xrf1)  }
0xac: {  	v63 =	vperm.xlane v44, v5;
	v32 =	vperm.xlane v13, v6;
	vm9 =	vge.f32 v50, v17  }
0xad: {  	vm12 =	vgt.s32 v25, v16;
	v17 =	vsel vm9, v50, v17;
	v21 =	vsel vm9, v51, v22  }
0xae: {  	vm0 =	vmmov vm0;
	v33 =	vperm.xlane v44, v6;
	v59 =	vsel vm12, v25, v16;
	v61, v16, _ =	vpop (xrf1);
	(xrf1) =	vsort.dscd.msk.f32 $0xffff, v17, v21  }
0xaf: {  	v12 =	vsel vm11, v57, v23;
	v8 =	vsel vm1, $0xBF800000, v8;
	v15 =	vperm.xlane v61, v4  }
0xb0: {  	v37 =	vsel vm2, $0xC0000000, v32;
	vm4 =	vgt.s32 v12, v55;
	v29, v28, _ =	vpop (xrf1);
	v16 =	vperm.xlane v16, v4  }
0xb1: {  	vm11 =	veq.f32 v13, v37;
	v30 =	vperm.xlane v18, v5;
	vm13 =	vge.f32 v29, v15  }
0xb2: {  	v31 =	vperm.xlane v45, v5;
	v15 =	vsel vm13, v29, v15;
	v16 =	vsel vm13, v28, v16  }
0xb3: {  	vm8 =	veq.f32 v13, v8;
	v62 =	vsel vm4, v12, v55;
	vm12 =	vmmov vm11;
	(xrf1) =	vsort.dscd.msk.f32 $0xffff, v15, v16  }
0xb4: {  	v35 =	vperm.xlane v45, v6;
	v23 =	vsel vm1, $0xBF800000, v30;
	vm14 =	vlt.s32 v45, v31  }
0xb5: {  	vm15 =	veq.f32 v18, v23;
	v36 =	vsel vm14, v45, v31;
	vm9 =	vlt.s32 v44, v63  }
0xb6: {  	v60 =	vsel vm6, v59, v25;
	v8 =	vsel vm15, v36, v45;
	v20 =	vsel vm9, v44, v63  }
0xb7: {  	v34 =	vperm.xlane v18, v6;
	vm4 =	vgt.s32 v8, v35;
	v14 =	vsel vm8, v20, v44  }
0xb8: {  	v12 =	vsel vm0, v62, v12;
	v38 =	vsel vm4, v8, v35;
	vm3 =	vgt.s32 v14, v33;
	v39, v16, _ =	vpop (xrf1)  }
0xb9: {  	[tilespmem:s12+$0x4000] =	vst v9;
	v41 =	vsel vm3, v14, v33;
	v15 =	vsel vm2, $0xC0000000, v34;
	v40 =	vperm.xlane v39, v5  }
0xba: {  	[tilespmem:s13+$0x4080] =	vst v10;
	vm10 =	veq.f32 v18, v15;
	v42 =	vperm.xlane v16, v5;
	v47 =	vperm.xlane v39, v6  }
0xbb: {  	[tilespmem:s13+$0x8080] =	vst v60;
	v60 =	vsel vm12, v41, v14;
	v8 =	vsel vm10, v38, v8;
	v48 =	vperm.xlane v16, v6  }
0xbc: {  	[tilespmem:s11+$0x8000] =	vst v7;
	v17 =	vsel vm1, $0xBF800000, v40;
	vm8 =	vlt.s32 v16, v42;
	v7 =	vsel vm2, $0xC0000000, v47;
	v43, v44, _ =	vpop (xrf1)  }
0xbd: {  	vm13 =	veq.f32 v39, v17;
	v54 =	vsel vm8, v16, v42;
	v45 =	vperm.xlane v43, v5  }
0xbe: {  	[tilespmem:s13+$0x4000] =	vst v13;
	vm9 =	veq.f32 v39, v7;
	v46 =	vperm.xlane v44, v5;
	v50 =	vperm.xlane v43, v6  }
0xbf: {  	[tilespmem:s14+$0x8080] =	vst v8;
	v8 =	vsel vm13, v54, v16;
	vm12 =	vmmov vm9;
	v52 =	vperm.xlane v44, v6  }
0xc0: {  	v49 =	vsel vm1, $0xBF800000, v45;
	vm14 =	vlt.s32 v44, v46;
	v55 =	vsel vm2, $0xC0000000, v50  }
0xc1: {  	v51 =	vsel vm14, v44, v46;
	vm15 =	veq.f32 v43, v49;
	vm10 =	veq.f32 v43, v55;
	v57, v56, _ =	vpop (xrf1)  }
0xc2: {  	[tilespmem:s14+$0x4080] =	vst v18;
	v53 =	vsel vm15, v51, v44;
	v58 =	vperm.xlane v57, v5;
	v59 =	vperm.xlane v56, v5  }
0xc3: {  	[tilespmem:s12+$0x8000] =	vst v12;
	v61 =	vperm.xlane v57, v6;
	v62 =	vperm.xlane v56, v6;
	vm4 =	vgt.s32 v53, v52  }
0xc4: {  	[tilespmem:s14+$0x4000] =	vst v39;
	v7 =	vsel vm4, v53, v52;
	v10 =	vsel vm1, $0xBF800000, v58;
	vm11 =	vlt.s32 v56, v59  }
0xc5: {  	[tilespmem:s15+$0x4080] =	vst v43;
	v7 =	vsel vm10, v7, v53;
	vm1 =	veq.f32 v57, v10;
	v63 =	vsel vm11, v56, v59  }
0xc6: {  	vm3 =	vgt.s32 v8, v48;
	v12 =	vsel vm2, $0xC0000000, v61;
	[tilespmem:s15+$0x8080] =	vst v7;
	v10 =	vsel vm1, v63, v56  }
0xc7: {  	vm13 =	veq.f32 v57, v12;
	v7 =	vsel vm3, v8, v48;
	[tilespmem:s13+$0x8000] =	vst v60;
	vm14 =	vgt.s32 v10, v62  }
0xc8: {  	vm15 =	vmmov vm13;
	v7 =	vsel vm12, v7, v8;
	[tilespmem:s15+$0x4000] =	vst v57;
	v8 =	vsel vm14, v10, v62  }
0xc9: {  	[tilespmem:s14+$0x8000] =	vst v7;
	v7 =	vsel vm15, v8, v10  }
0xca: {  	[tilespmem:s15+$0x8000] =	vst v7  }
0xcb: {  	[hbm4b:s4+s2] =	stream.linear.scatter [tilespmem:s8], [sflag:$0x1], $0x4000, $0x38;
	[tilespmem:$0xC000] =	vst v63  }
0xcc: {  	s10 =	sadd.s32 $0x1, s10;
	_ =	swait.ge [sflag:s7], $0x4000  }
0xcd: {  	p0 =	sne.s32 s10, s6;
	[sflag:s7] =	ssyncset.done $0x0  }
.Ltmp1:
0xce: {  	[sflag:s7] =	ssyncadd.s32 $0xFFFFC000;
	(pc) =	sbr.rel @p0 .LBB2_1-.Ltmp1, $4  }
0xcf: {  	[hbm4b:s5+s2] =	stream.linear.scatter [tilespmem:s9], [sflag:$0x1], $0x4000, $0x38;
	[tilespmem:$0xC000] =	vst v63  }
0xd0: {  	_ =	swait.ge [sflag:s7], $0x4000  }
0xd1: {  	[sflag:s7] =	ssyncset.done $0x0  }
0xd2: {  	[sflag:s7] =	ssyncadd.s32 $0xFFFFC000  }
0xd3: {  	_ =	sfence.sel $0x180000  }
0xd4: {  	[bflag:$0x0] =	sbarrier.arrive $0xFFFF  }
0xd5: {  	p0 =	sne.s32 s1, $0x0;
	_ =	strace $0x90000047  }
0xd6: {  	s0 =	sadd.s32 @!p0 $0x100000, s0;
	[bflag:$0x2] =	sbarrier.arrive $0xFFFF  }
0xd7: {  	[sflag:s0] =	ssyncadd.tile.s32 @!p0 $0x1;
	_ =	shalt  }
.Lfunc_end2:
_tile_overlayer_lowered:
.L_overlay_start_2:
0xd8: {  	(tag) =	ssettag $0x2  }
0xd9: {  	s0 =	rddreg [dreg:$0x0];
	s2 =	stileid.u32  }
0xda: {  	s1 =	rddreg [dreg:$0x1];
	p0 =	sne.s32 s2, $0x0  }
0xdb: {  	s3 =	rddreg [dreg:$0x2];
	[bflag:$0x3] =	sbarrier.arrive $0xFFFF;
	s2 =	simm.s32 @!p0 $0x1C01  }
0xdc: {  	[timem:s3], [sflag:s2] =	dma.local @!p0 [hbm:s0], s1  }
0xdd: {  	s0 =	simm.s32 @!p0 $0x1  }
0xde: {  	_ =	swait.ge @!p0 [sflag:s0], s1  }
0xdf: {  	s1 =	ssub.s32 @!p0 $0x0, s1;
	[sflag:s0] =	ssyncset.done @!p0 $0x0  }
0xe0: {  	[sflag:s0] =	ssyncadd.s32 @!p0 s1  }
0xe1: {  	[bflag:$0x3] =	sbarrier.arrive $0xFFFF  }
0xe2: {  	_ =	shalt  }

</sc_bundles>
